<compile_context>
chip_gen: v7x
topology: tpu7x:2x2x1
jax: 0.10.2.dev20260603
libtpu: 0.0.44.dev20260713+nightly
codegen_flags: <defaults>
</compile_context>

<pallas_src>
import functools

import jax
import jax.numpy as jnp
from jax import lax
from jax.experimental import pallas as pl
from jax.experimental.pallas import tpu as pltpu
from jax.experimental.pallas import tpu_sc as plsc

N = 10000
E = 160000
D = 256

NC = 2
NS = 16
LANES = 16

EB = 128
NB = 80
EPT = NB * EB
EPAD = NS * EPT
DUMMY = N
NACC = N + 8
WT = 10

_MESH = plsc.VectorSubcoreMesh(
    core_axis_name="c", subcore_axis_name="s", num_cores=NC, num_subcores=NS
)


def _deg_body(colp, ones_hbm, zer_hbm, deg_out, dacc, ones_v, cidx, dsem):
    c = lax.axis_index("c")
    s = lax.axis_index("s")

    pltpu.sync_copy(ones_hbm, ones_v)
    pltpu.sync_copy(colp.at[s], cidx)

    @pl.when(s < WT)
    def _():
        pltpu.sync_copy(zer_hbm, dacc.at[pl.ds(s * 1000, 1000)])

    plsc.subcore_barrier()

    KF = 8
    b0 = c * (NB // 2)

    def round_(r, carry):
        def fire(i, cc):
            pltpu.async_copy(ones_v, dacc.at[cidx.at[b0 + r * KF + i]], dsem,
                             add=True)
            return cc

        lax.fori_loop(0, KF, fire, 0)

        def drain(i, cc):
            pltpu.make_async_copy(ones_hbm, ones_v, dsem).wait()
            return cc

        lax.fori_loop(0, KF, drain, 0)
        return carry

    lax.fori_loop(0, (NB // 2) // KF, round_, 0)
    plsc.subcore_barrier()

    @pl.when(s < WT)
    def _():
        pltpu.sync_copy(dacc.at[pl.ds(s * 1000, 1000)],
                        deg_out.at[c, pl.ds(s * 1000, 1000)])


@functools.partial(
    pl.kernel,
    out_type=jax.ShapeDtypeStruct((NC, N, 128), jnp.float32),
    mesh=_MESH,
    scratch_types=[
        pltpu.VMEM_SHARED((NACC, 128), jnp.float32),
        pltpu.VMEM((EB, 128), jnp.float32),
        pltpu.VMEM((NB, EB), jnp.int32),
        pltpu.SemaphoreType.DMA,
    ],
)
def _deg_kernel(colp, ones_hbm, zer_hbm, deg_out, dacc, ones_v, cidx, dsem):
    _deg_body(colp, ones_hbm, zer_hbm, deg_out, dacc, ones_v, cidx, dsem)


def _agg_body(g2, rowp, colp, zer_hbm, out, acc, ridx, cidx, gbuf):
    c = lax.axis_index("c")
    s = lax.axis_index("s")

    pltpu.sync_copy(rowp.at[s], ridx)
    pltpu.sync_copy(colp.at[s], cidx)

    @pl.when(s < WT)
    def _():
        pltpu.sync_copy(zer_hbm, acc.at[pl.ds(s * 1000, 1000)])

    def xform(r, carry):
        for j in range(EB // LANES):
            v = ridx[r, pl.ds(j * LANES, LANES)]
            ridx[r, pl.ds(j * LANES, LANES)] = v * 2 + c
        return carry

    lax.fori_loop(0, NB + 1, xform, 0)
    plsc.subcore_barrier()

    def step(b, carry):
        pltpu.sync_copy(g2.at[ridx.at[b]], gbuf)
        pltpu.sync_copy(gbuf, acc.at[cidx.at[b]], add=True)
        return carry

    lax.fori_loop(0, NB, step, 0)
    plsc.subcore_barrier()

    @pl.when(s < WT)
    def _():
        pltpu.sync_copy(acc.at[pl.ds(s * 1000, 1000)],
                        out.at[c, pl.ds(s * 1000, 1000)])


@functools.partial(
    pl.kernel,
    out_type=jax.ShapeDtypeStruct((NC, N, 128), jnp.float32),
    mesh=_MESH,
    scratch_types=[
        pltpu.VMEM_SHARED((NACC, 128), jnp.float32),
        pltpu.VMEM((NB + 1, EB), jnp.int32),
        pltpu.VMEM((NB, EB), jnp.int32),
        pltpu.VMEM((EB, 128), jnp.float32),
    ],
)
def _agg_kernel(g2, rowp, colp, zer_hbm, out, acc, ridx, cidx, gbuf):
    _agg_body(g2, rowp, colp, zer_hbm, out, acc, ridx, cidx, gbuf)


_BT = 1000


def _prep_body(deg_ref, x_ref, g_ref, dinv_ref):
    dinv = lax.rsqrt(deg_ref[0, :, 0:1] + deg_ref[1, :, 0:1] + 1.0)
    g_ref[...] = dinv * x_ref[...]
    dinv_ref[...] = jnp.broadcast_to(dinv, (_BT, 128))


def _layer_body(relu, emit_g, dinv_ref, s_ref, g_ref, res_ref, w_ref, *outs):
    dinv = dinv_ref[:, 0:1]
    sfull = jnp.concatenate([s_ref[0], s_ref[1]], axis=-1)
    agg = dinv * (sfull + g_ref[...])
    hv = lax.dot_general(agg, w_ref[...], (((1,), (1,)), ((), ())),
                         preferred_element_type=jnp.float32)
    if relu:
        hv = jnp.maximum(hv, 0.0)
    hv = hv + res_ref[...]
    outs[0][...] = hv
    if emit_g:
        outs[1][...] = dinv * hv


def _tc_prep(deg2, x):
    return pl.pallas_call(
        _prep_body,
        grid=(N // _BT,),
        in_specs=[
            pl.BlockSpec((NC, _BT, 128), lambda i: (0, i, 0)),
            pl.BlockSpec((_BT, D), lambda i: (i, 0)),
        ],
        out_specs=[pl.BlockSpec((_BT, D), lambda i: (i, 0)),
                   pl.BlockSpec((_BT, 128), lambda i: (i, 0))],
        out_shape=[jax.ShapeDtypeStruct((N, D), jnp.float32),
                   jax.ShapeDtypeStruct((N, 128), jnp.float32)],
    )(deg2, x)


def _tc_layer(dinv, s2, g, res, w, relu, emit_g):
    n_out = 2 if emit_g else 1
    out_shape = [jax.ShapeDtypeStruct((N, D), jnp.float32)] * n_out
    out_specs = [pl.BlockSpec((_BT, D), lambda i: (i, 0))] * n_out
    res_ = pl.pallas_call(
        functools.partial(_layer_body, relu, emit_g),
        grid=(N // _BT,),
        in_specs=[
            pl.BlockSpec((_BT, 128), lambda i: (i, 0)),
            pl.BlockSpec((NC, _BT, 128), lambda i: (0, i, 0)),
            pl.BlockSpec((_BT, D), lambda i: (i, 0)),
            pl.BlockSpec((_BT, D), lambda i: (i, 0)),
            pl.BlockSpec((D, D), lambda i: (0, 0)),
        ],
        out_specs=out_specs,
        out_shape=out_shape,
    )(dinv, s2, g, res, w)
    return res_ if emit_g else res_[0]


def kernel(x, edge_index, W0, W1):
    row = edge_index[0]
    col = edge_index[1]

    rowp = jnp.concatenate(
        [row, jnp.zeros((EPAD - E,), jnp.int32)]).reshape(NS, NB, EB)
    rowp = jnp.concatenate([rowp, jnp.zeros((NS, 1, EB), jnp.int32)], axis=1)
    colp = jnp.concatenate(
        [col, jnp.full((EPAD - E,), DUMMY, jnp.int32)]).reshape(NS, NB, EB)

    ones_hbm = jnp.ones((EB, 128), jnp.float32)
    zer128 = jnp.zeros((1000, 128), jnp.float32)

    deg2 = _deg_kernel(colp, ones_hbm, zer128)

    g0, dinv = _tc_prep(deg2, x)
    s0 = _agg_kernel(g0.reshape(2 * N, 128), rowp, colp, zer128)
    h1, g1 = _tc_layer(dinv, s0, g0, x, W0, relu=True, emit_g=True)
    s1 = _agg_kernel(g1.reshape(2 * N, 128), rowp, colp, zer128)
    h2 = _tc_layer(dinv, s1, g1, h1, W1, relu=False, emit_g=False)
    return h2[None]

# --- scband reference (transcript-rebuilt; emitter-appended) ---
"""Pipeline reference for scband-lightgcn-backbone-37838661878178 (READ-ONLY COPY).

The authoritative reference and input builder live on the scoring server;
editing this copy changes nothing except your own understanding.
"""

import jax, jax.numpy as jnp
import numpy as np

N = 10000
E = 160000
D = 256


def _lgconv(h, row, col, norm, num_nodes):
    # LGConv with symmetric gcn normalization: out[col] += norm * h[row]
    msg = h[row] * norm[:, None]
    return jax.ops.segment_sum(msg, col, num_segments=num_nodes)


def setup_inputs(seed: int = 0) -> dict:
    key = jax.random.key(seed)
    k1, k2, k3, k4 = jax.random.split(key, 4)
    x = jax.random.normal(k1, (N, D), dtype=jnp.float32)
    edge_index = jax.random.randint(k2, (2, E), 0, N, dtype=jnp.int32)
    # nn.Linear(in, out, bias=False) weights stored torch-style as [out, in]
    W0 = jax.random.normal(k3, (D, D), dtype=jnp.float32) * (1.0 / np.sqrt(D))
    W1 = jax.random.normal(k4, (D, D), dtype=jnp.float32) * (1.0 / np.sqrt(D))
    return {"x": x, "edge_index": edge_index, "W0": W0, "W1": W1}


def reference(x, edge_index, W0, W1):
    num_nodes = x.shape[0]
    # add_self_loops
    sl = jnp.arange(num_nodes, dtype=edge_index.dtype)
    ei = jnp.concatenate([edge_index, jnp.stack([sl, sl], axis=0)], axis=1)
    row, col = ei[0], ei[1]
    # gcn_norm (add_self_loops=False inside LGConv since already added)
    ones = jnp.ones(row.shape[0], dtype=x.dtype)
    deg = jax.ops.segment_sum(ones, col, num_segments=num_nodes)
    dinv = jnp.where(deg > 0, jax.lax.rsqrt(jnp.where(deg > 0, deg, 1.0)), 0.0)
    norm = dinv[row] * dinv[col]
    # layer 0: agg -> lin -> relu (dropout=0.0) -> residual
    h_in = x
    h = _lgconv(x, row, col, norm, num_nodes)
    h = h @ W0.T
    h = jax.nn.relu(h)
    h = h + h_in  # residual, shapes match (256 == 256)
    # layer 1 (last): agg -> lin -> residual
    h_in = h
    h = _lgconv(h, row, col, norm, num_nodes)
    h = h @ W1.T
    h = h + h_in
    # graph_seq of length T=1, readout_type='none' -> stack to [T, N, F]
    return jnp.stack([h], axis=0)

if __name__ == "__main__":
    import jax
    _d = setup_inputs()
    print(jax.jit(kernel)(*tuple(_d.values())))

</pallas_src>

<mosaic_0001>
#map = affine_map<(d0, d1) -> (0, 0, 0)>
#map1 = affine_map<(d0, d1) -> (0, 0)>
module attributes {stable_mosaic.version = 14 : i64} {
  func.func @_deg_kernel(%arg0: i32, %arg1: i32, %arg2: memref<16x80x128xi32, #tpu.memory_space<hbm>>, %arg3: memref<128x128xf32, #tpu.memory_space<hbm>>, %arg4: memref<1000x128xf32, #tpu.memory_space<hbm>>, %arg5: memref<2x10000x128xf32, #tpu.memory_space<hbm>>, %arg6: memref<10008x128xf32, #tpu.memory_space<vmem_shared>>, %arg7: memref<128x128xf32, #tpu.memory_space<vmem>>, %arg8: memref<80x128xi32, #tpu.memory_space<vmem>>, %arg9: memref<!tpu.dma_semaphore, #tpu.memory_space<semaphore_mem>>) attributes {dimension_semantics = [#tpu.dimension_semantics<core_parallel>, #tpu.dimension_semantics<subcore_parallel>], iteration_bounds = array<i64: 2, 16>, scalar_prefetch = 0 : i64, scratch_operands = 4 : i64, tpu.core_type = #tpu.core_type<sc_vector_subcore>, window_params = [{transform_indices = #map}, {transform_indices = #map1}, {transform_indices = #map1}, {transform_indices = #map}]} {
    "tpu.region"() ({
      %run_scoped3A = tpu.sem_alloc : memref<!tpu.dma_semaphore, #tpu.memory_space<semaphore_mem>>
      tpu.enqueue_dma source(%arg3 : memref<128x128xf32, #tpu.memory_space<hbm>>) target(%arg7 : memref<128x128xf32, #tpu.memory_space<vmem>>) target_semaphore(%run_scoped3A : memref<!tpu.dma_semaphore, #tpu.memory_space<semaphore_mem>>)
      tpu.wait_dma2 semaphore(%run_scoped3A : memref<!tpu.dma_semaphore, #tpu.memory_space<semaphore_mem>>) src(%arg3 : memref<128x128xf32, #tpu.memory_space<hbm>>) dst(%arg7 : memref<128x128xf32, #tpu.memory_space<vmem>>)
      tpu.yield
    }) : () -> ()
    "tpu.region"() ({
      %run_scoped3A = tpu.sem_alloc : memref<!tpu.dma_semaphore, #tpu.memory_space<semaphore_mem>>
      %dma_start3A = arith.constant 0 : i32
      %dma_start3A_14 = arith.constant 0 : i32
      %dma_start3A_15 = tpu.memref_slice %arg2[%arg1, %dma_start3A, %dma_start3A_14] : memref<16x80x128xi32, #tpu.memory_space<hbm>> -> memref<1x80x128xi32, #tpu.memory_space<hbm>>
      %dma_start3A_16 = tpu.memref_squeeze %dma_start3A_15 : memref<1x80x128xi32, #tpu.memory_space<hbm>> -> memref<80x128xi32, #tpu.memory_space<hbm>>
      %dma_start3A_17 = arith.constant 0 : i32
      %dma_start3A_18 = arith.constant 0 : i32
      %dma_start3A_19 = tpu.memref_slice %arg2[%arg1, %dma_start3A_17, %dma_start3A_18] : memref<16x80x128xi32, #tpu.memory_space<hbm>> -> memref<1x80x128xi32, #tpu.memory_space<hbm>>
      %dma_start3A_20 = tpu.memref_squeeze %dma_start3A_19 : memref<1x80x128xi32, #tpu.memory_space<hbm>> -> memref<80x128xi32, #tpu.memory_space<hbm>>
      tpu.enqueue_dma source(%dma_start3A_20 : memref<80x128xi32, #tpu.memory_space<hbm>>) target(%arg8 : memref<80x128xi32, #tpu.memory_space<vmem>>) target_semaphore(%run_scoped3A : memref<!tpu.dma_semaphore, #tpu.memory_space<semaphore_mem>>)
      %dma_wait3A = arith.constant 0 : i32
      %dma_wait3A_21 = arith.constant 0 : i32
      %dma_wait3A_22 = tpu.memref_slice %arg2[%arg1, %dma_wait3A, %dma_wait3A_21] : memref<16x80x128xi32, #tpu.memory_space<hbm>> -> memref<1x80x128xi32, #tpu.memory_space<hbm>>
      %dma_wait3A_23 = tpu.memref_squeeze %dma_wait3A_22 : memref<1x80x128xi32, #tpu.memory_space<hbm>> -> memref<80x128xi32, #tpu.memory_space<hbm>>
      %dma_wait3A_24 = arith.constant 0 : i32
      %dma_wait3A_25 = arith.constant 0 : i32
      %dma_wait3A_26 = tpu.memref_slice %arg2[%arg1, %dma_wait3A_24, %dma_wait3A_25] : memref<16x80x128xi32, #tpu.memory_space<hbm>> -> memref<1x80x128xi32, #tpu.memory_space<hbm>>
      %dma_wait3A_27 = tpu.memref_squeeze %dma_wait3A_26 : memref<1x80x128xi32, #tpu.memory_space<hbm>> -> memref<80x128xi32, #tpu.memory_space<hbm>>
      tpu.wait_dma2 semaphore(%run_scoped3A : memref<!tpu.dma_semaphore, #tpu.memory_space<semaphore_mem>>) src(%dma_wait3A_27 : memref<80x128xi32, #tpu.memory_space<hbm>>) dst(%arg8 : memref<80x128xi32, #tpu.memory_space<vmem>>)
      tpu.yield
    }) : () -> ()
    %lt3A = arith.constant 10 : i32
    %lt3A_0 = arith.cmpi slt, %arg1, %lt3A : i32
    %convert_element_type3A = arith.extui %lt3A_0 : i1 to i32
    %cond3A = arith.constant 0 : i32
    %cond3A_1 = arith.cmpi ne, %convert_element_type3A, %cond3A : i32
    scf.if %cond3A_1 {
      %mul3A_14 = arith.constant 1000 : i32
      %mul3A_15 = arith.muli %arg1, %mul3A_14 : i32
      "tpu.region"() ({
        %run_scoped3A = tpu.sem_alloc : memref<!tpu.dma_semaphore, #tpu.memory_space<semaphore_mem>>
        %dma_start3A = arith.constant 0 : i32
        %dma_start3A_16 = tpu.memref_slice %arg6[%mul3A_15, %dma_start3A] : memref<10008x128xf32, #tpu.memory_space<vmem_shared>> -> memref<1000x128xf32, #tpu.memory_space<vmem_shared>>
        tpu.enqueue_dma source(%arg4 : memref<1000x128xf32, #tpu.memory_space<hbm>>) target(%dma_start3A_16 : memref<1000x128xf32, #tpu.memory_space<vmem_shared>>) target_semaphore(%run_scoped3A : memref<!tpu.dma_semaphore, #tpu.memory_space<semaphore_mem>>)
        %dma_wait3A = arith.constant 0 : i32
        %dma_wait3A_17 = tpu.memref_slice %arg6[%mul3A_15, %dma_wait3A] : memref<10008x128xf32, #tpu.memory_space<vmem_shared>> -> memref<1000x128xf32, #tpu.memory_space<vmem_shared>>
        tpu.wait_dma2 semaphore(%run_scoped3A : memref<!tpu.dma_semaphore, #tpu.memory_space<semaphore_mem>>) src(%arg4 : memref<1000x128xf32, #tpu.memory_space<hbm>>) dst(%dma_wait3A_17 : memref<1000x128xf32, #tpu.memory_space<vmem_shared>>)
        tpu.yield
      }) : () -> ()
    } else {
    }
    %barrier3A = arith.constant 0 : index
    tpu.barrier barrier_id(%barrier3A)
    %mul3A = arith.constant 40 : i32
    %mul3A_2 = arith.muli %arg0, %mul3A : i32
    %scan3A = arith.constant 0 : i32
    %scan3A_3 = arith.constant 0 : i32
    %scan3A_4 = arith.constant 5 : i32
    %scan3A_5 = arith.addi %scan3A_3, %scan3A_4 : i32
    %scan3A_6 = arith.constant 1 : i32
    scf.for %scan3A_14 = %scan3A_3 to %scan3A_5 step %scan3A_6  : i32 {
      %scan3A_15 = arith.constant 0 : i32
      %scan3A_16 = arith.constant 0 : i32
      %scan3A_17 = arith.constant 8 : i32
      %scan3A_18 = arith.addi %scan3A_16, %scan3A_17 : i32
      %scan3A_19 = arith.constant 1 : i32
      scf.for %scan3A_27 = %scan3A_16 to %scan3A_18 step %scan3A_19  : i32 {
        %mul3A_28 = arith.constant 8 : i32
        %mul3A_29 = arith.muli %scan3A_14, %mul3A_28 : i32
        %add3A = arith.addi %mul3A_2, %mul3A_29 : i32
        %add3A_30 = arith.addi %add3A, %scan3A_27 : i32
        %dma_start3A = arith.constant 0 : i32
        %dma_start3A_31 = tpu.memref_slice %arg8[%add3A_30, %dma_start3A] : memref<80x128xi32, #tpu.memory_space<vmem>> -> memref<1x128xi32, #tpu.memory_space<vmem>>
        %dma_start3A_32 = tpu.memref_squeeze %dma_start3A_31 : memref<1x128xi32, #tpu.memory_space<vmem>> -> memref<128xi32, #tpu.memory_space<vmem>>
        %dma_start3A_33 = arith.constant 0 : i32
        %dma_start3A_34 = arith.constant 0 : i32
        %dma_start3A_35 = tpu.memref_slice %arg6[%dma_start3A_33, %dma_start3A_34] : memref<10008x128xf32, #tpu.memory_space<vmem_shared>> -> memref<10008x128xf32, #tpu.memory_space<vmem_shared>>
        tpu.enqueue_indirect_dma source(%arg7 : memref<128x128xf32, #tpu.memory_space<vmem>>) target(%dma_start3A_35 : memref<10008x128xf32, #tpu.memory_space<vmem_shared>>) offsets(%dma_start3A_32 : memref<128xi32, #tpu.memory_space<vmem>>) semaphore(%arg9 : memref<!tpu.dma_semaphore, #tpu.memory_space<semaphore_mem>>) {add = true}
      }
      %scan3A_20 = arith.constant 8 : i32
      %scan3A_21 = arith.constant 0 : i32
      %scan3A_22 = arith.constant 0 : i32
      %scan3A_23 = arith.constant 8 : i32
      %scan3A_24 = arith.addi %scan3A_22, %scan3A_23 : i32
      %scan3A_25 = arith.constant 1 : i32
      scf.for %scan3A_27 = %scan3A_22 to %scan3A_24 step %scan3A_25  : i32 {
        tpu.wait_dma2 semaphore(%arg9 : memref<!tpu.dma_semaphore, #tpu.memory_space<semaphore_mem>>) src(%arg3 : memref<128x128xf32, #tpu.memory_space<hbm>>) dst(%arg7 : memref<128x128xf32, #tpu.memory_space<vmem>>)
      }
      %scan3A_26 = arith.constant 8 : i32
    }
    %scan3A_7 = arith.constant 5 : i32
    %barrier3A_8 = arith.constant 0 : index
    tpu.barrier barrier_id(%barrier3A_8)
    %lt3A_9 = arith.constant 10 : i32
    %lt3A_10 = arith.cmpi slt, %arg1, %lt3A_9 : i32
    %convert_element_type3A_11 = arith.extui %lt3A_10 : i1 to i32
    %cond3A_12 = arith.constant 0 : i32
    %cond3A_13 = arith.cmpi ne, %convert_element_type3A_11, %cond3A_12 : i32
    scf.if %cond3A_13 {
      %mul3A_14 = arith.constant 1000 : i32
      %mul3A_15 = arith.muli %arg1, %mul3A_14 : i32
      %mul3A_16 = arith.constant 1000 : i32
      %mul3A_17 = arith.muli %arg1, %mul3A_16 : i32
      "tpu.region"() ({
        %run_scoped3A = tpu.sem_alloc : memref<!tpu.dma_semaphore, #tpu.memory_space<semaphore_mem>>
        %dma_start3A = arith.constant 0 : i32
        %dma_start3A_18 = tpu.memref_slice %arg5[%arg0, %mul3A_17, %dma_start3A] : memref<2x10000x128xf32, #tpu.memory_space<hbm>> -> memref<1x1000x128xf32, #tpu.memory_space<hbm>>
        %dma_start3A_19 = tpu.memref_squeeze %dma_start3A_18 : memref<1x1000x128xf32, #tpu.memory_space<hbm>> -> memref<1000x128xf32, #tpu.memory_space<hbm>>
        %dma_start3A_20 = arith.constant 0 : i32
        %dma_start3A_21 = tpu.memref_slice %arg6[%mul3A_15, %dma_start3A_20] : memref<10008x128xf32, #tpu.memory_space<vmem_shared>> -> memref<1000x128xf32, #tpu.memory_space<vmem_shared>>
        tpu.enqueue_dma source(%dma_start3A_21 : memref<1000x128xf32, #tpu.memory_space<vmem_shared>>) target(%dma_start3A_19 : memref<1000x128xf32, #tpu.memory_space<hbm>>) target_semaphore(%run_scoped3A : memref<!tpu.dma_semaphore, #tpu.memory_space<semaphore_mem>>)
        %dma_wait3A = arith.constant 0 : i32
        %dma_wait3A_22 = tpu.memref_slice %arg5[%arg0, %mul3A_17, %dma_wait3A] : memref<2x10000x128xf32, #tpu.memory_space<hbm>> -> memref<1x1000x128xf32, #tpu.memory_space<hbm>>
        %dma_wait3A_23 = tpu.memref_squeeze %dma_wait3A_22 : memref<1x1000x128xf32, #tpu.memory_space<hbm>> -> memref<1000x128xf32, #tpu.memory_space<hbm>>
        %dma_wait3A_24 = arith.constant 0 : i32
        %dma_wait3A_25 = tpu.memref_slice %arg6[%mul3A_15, %dma_wait3A_24] : memref<10008x128xf32, #tpu.memory_space<vmem_shared>> -> memref<1000x128xf32, #tpu.memory_space<vmem_shared>>
        tpu.wait_dma2 semaphore(%run_scoped3A : memref<!tpu.dma_semaphore, #tpu.memory_space<semaphore_mem>>) src(%dma_wait3A_25 : memref<1000x128xf32, #tpu.memory_space<vmem_shared>>) dst(%dma_wait3A_23 : memref<1000x128xf32, #tpu.memory_space<hbm>>)
        tpu.yield
      }) : () -> ()
    } else {
    }
    return
  }
}

#map = affine_map<(d0, d1) -> (0, 0)>
#map1 = affine_map<(d0, d1) -> (0, 0, 0)>
module attributes {stable_mosaic.version = 14 : i64} {
  func.func @_agg_kernel(%arg0: i32, %arg1: i32, %arg2: memref<20000x128xf32, #tpu.memory_space<hbm>>, %arg3: memref<16x81x128xi32, #tpu.memory_space<hbm>>, %arg4: memref<16x80x128xi32, #tpu.memory_space<hbm>>, %arg5: memref<1000x128xf32, #tpu.memory_space<hbm>>, %arg6: memref<2x10000x128xf32, #tpu.memory_space<hbm>>, %arg7: memref<10008x128xf32, #tpu.memory_space<vmem_shared>>, %arg8: memref<81x128xi32, #tpu.memory_space<vmem>>, %arg9: memref<80x128xi32, #tpu.memory_space<vmem>>, %arg10: memref<128x128xf32, #tpu.memory_space<vmem>>) attributes {dimension_semantics = [#tpu.dimension_semantics<core_parallel>, #tpu.dimension_semantics<subcore_parallel>], iteration_bounds = array<i64: 2, 16>, scalar_prefetch = 0 : i64, scratch_operands = 4 : i64, tpu.core_type = #tpu.core_type<sc_vector_subcore>, window_params = [{transform_indices = #map}, {transform_indices = #map1}, {transform_indices = #map1}, {transform_indices = #map}, {transform_indices = #map1}]} {
    "tpu.region"() ({
      %run_scoped3A = tpu.sem_alloc : memref<!tpu.dma_semaphore, #tpu.memory_space<semaphore_mem>>
      %dma_start3A = arith.constant 0 : i32
      %dma_start3A_19 = arith.constant 0 : i32
      %dma_start3A_20 = tpu.memref_slice %arg3[%arg1, %dma_start3A, %dma_start3A_19] : memref<16x81x128xi32, #tpu.memory_space<hbm>> -> memref<1x81x128xi32, #tpu.memory_space<hbm>>
      %dma_start3A_21 = tpu.memref_squeeze %dma_start3A_20 : memref<1x81x128xi32, #tpu.memory_space<hbm>> -> memref<81x128xi32, #tpu.memory_space<hbm>>
      %dma_start3A_22 = arith.constant 0 : i32
      %dma_start3A_23 = arith.constant 0 : i32
      %dma_start3A_24 = tpu.memref_slice %arg3[%arg1, %dma_start3A_22, %dma_start3A_23] : memref<16x81x128xi32, #tpu.memory_space<hbm>> -> memref<1x81x128xi32, #tpu.memory_space<hbm>>
      %dma_start3A_25 = tpu.memref_squeeze %dma_start3A_24 : memref<1x81x128xi32, #tpu.memory_space<hbm>> -> memref<81x128xi32, #tpu.memory_space<hbm>>
      tpu.enqueue_dma source(%dma_start3A_25 : memref<81x128xi32, #tpu.memory_space<hbm>>) target(%arg8 : memref<81x128xi32, #tpu.memory_space<vmem>>) target_semaphore(%run_scoped3A : memref<!tpu.dma_semaphore, #tpu.memory_space<semaphore_mem>>)
      %dma_wait3A = arith.constant 0 : i32
      %dma_wait3A_26 = arith.constant 0 : i32
      %dma_wait3A_27 = tpu.memref_slice %arg3[%arg1, %dma_wait3A, %dma_wait3A_26] : memref<16x81x128xi32, #tpu.memory_space<hbm>> -> memref<1x81x128xi32, #tpu.memory_space<hbm>>
      %dma_wait3A_28 = tpu.memref_squeeze %dma_wait3A_27 : memref<1x81x128xi32, #tpu.memory_space<hbm>> -> memref<81x128xi32, #tpu.memory_space<hbm>>
      %dma_wait3A_29 = arith.constant 0 : i32
      %dma_wait3A_30 = arith.constant 0 : i32
      %dma_wait3A_31 = tpu.memref_slice %arg3[%arg1, %dma_wait3A_29, %dma_wait3A_30] : memref<16x81x128xi32, #tpu.memory_space<hbm>> -> memref<1x81x128xi32, #tpu.memory_space<hbm>>
      %dma_wait3A_32 = tpu.memref_squeeze %dma_wait3A_31 : memref<1x81x128xi32, #tpu.memory_space<hbm>> -> memref<81x128xi32, #tpu.memory_space<hbm>>
      tpu.wait_dma2 semaphore(%run_scoped3A : memref<!tpu.dma_semaphore, #tpu.memory_space<semaphore_mem>>) src(%dma_wait3A_32 : memref<81x128xi32, #tpu.memory_space<hbm>>) dst(%arg8 : memref<81x128xi32, #tpu.memory_space<vmem>>)
      tpu.yield
    }) : () -> ()
    "tpu.region"() ({
      %run_scoped3A = tpu.sem_alloc : memref<!tpu.dma_semaphore, #tpu.memory_space<semaphore_mem>>
      %dma_start3A = arith.constant 0 : i32
      %dma_start3A_19 = arith.constant 0 : i32
      %dma_start3A_20 = tpu.memref_slice %arg4[%arg1, %dma_start3A, %dma_start3A_19] : memref<16x80x128xi32, #tpu.memory_space<hbm>> -> memref<1x80x128xi32, #tpu.memory_space<hbm>>
      %dma_start3A_21 = tpu.memref_squeeze %dma_start3A_20 : memref<1x80x128xi32, #tpu.memory_space<hbm>> -> memref<80x128xi32, #tpu.memory_space<hbm>>
      %dma_start3A_22 = arith.constant 0 : i32
      %dma_start3A_23 = arith.constant 0 : i32
      %dma_start3A_24 = tpu.memref_slice %arg4[%arg1, %dma_start3A_22, %dma_start3A_23] : memref<16x80x128xi32, #tpu.memory_space<hbm>> -> memref<1x80x128xi32, #tpu.memory_space<hbm>>
      %dma_start3A_25 = tpu.memref_squeeze %dma_start3A_24 : memref<1x80x128xi32, #tpu.memory_space<hbm>> -> memref<80x128xi32, #tpu.memory_space<hbm>>
      tpu.enqueue_dma source(%dma_start3A_25 : memref<80x128xi32, #tpu.memory_space<hbm>>) target(%arg9 : memref<80x128xi32, #tpu.memory_space<vmem>>) target_semaphore(%run_scoped3A : memref<!tpu.dma_semaphore, #tpu.memory_space<semaphore_mem>>)
      %dma_wait3A = arith.constant 0 : i32
      %dma_wait3A_26 = arith.constant 0 : i32
      %dma_wait3A_27 = tpu.memref_slice %arg4[%arg1, %dma_wait3A, %dma_wait3A_26] : memref<16x80x128xi32, #tpu.memory_space<hbm>> -> memref<1x80x128xi32, #tpu.memory_space<hbm>>
      %dma_wait3A_28 = tpu.memref_squeeze %dma_wait3A_27 : memref<1x80x128xi32, #tpu.memory_space<hbm>> -> memref<80x128xi32, #tpu.memory_space<hbm>>
      %dma_wait3A_29 = arith.constant 0 : i32
      %dma_wait3A_30 = arith.constant 0 : i32
      %dma_wait3A_31 = tpu.memref_slice %arg4[%arg1, %dma_wait3A_29, %dma_wait3A_30] : memref<16x80x128xi32, #tpu.memory_space<hbm>> -> memref<1x80x128xi32, #tpu.memory_space<hbm>>
      %dma_wait3A_32 = tpu.memref_squeeze %dma_wait3A_31 : memref<1x80x128xi32, #tpu.memory_space<hbm>> -> memref<80x128xi32, #tpu.memory_space<hbm>>
      tpu.wait_dma2 semaphore(%run_scoped3A : memref<!tpu.dma_semaphore, #tpu.memory_space<semaphore_mem>>) src(%dma_wait3A_32 : memref<80x128xi32, #tpu.memory_space<hbm>>) dst(%arg9 : memref<80x128xi32, #tpu.memory_space<vmem>>)
      tpu.yield
    }) : () -> ()
    %lt3A = arith.constant 10 : i32
    %lt3A_0 = arith.cmpi slt, %arg1, %lt3A : i32
    %convert_element_type3A = arith.extui %lt3A_0 : i1 to i32
    %cond3A = arith.constant 0 : i32
    %cond3A_1 = arith.cmpi ne, %convert_element_type3A, %cond3A : i32
    scf.if %cond3A_1 {
      %mul3A = arith.constant 1000 : i32
      %mul3A_19 = arith.muli %arg1, %mul3A : i32
      "tpu.region"() ({
        %run_scoped3A = tpu.sem_alloc : memref<!tpu.dma_semaphore, #tpu.memory_space<semaphore_mem>>
        %dma_start3A = arith.constant 0 : i32
        %dma_start3A_20 = tpu.memref_slice %arg7[%mul3A_19, %dma_start3A] : memref<10008x128xf32, #tpu.memory_space<vmem_shared>> -> memref<1000x128xf32, #tpu.memory_space<vmem_shared>>
        tpu.enqueue_dma source(%arg5 : memref<1000x128xf32, #tpu.memory_space<hbm>>) target(%dma_start3A_20 : memref<1000x128xf32, #tpu.memory_space<vmem_shared>>) target_semaphore(%run_scoped3A : memref<!tpu.dma_semaphore, #tpu.memory_space<semaphore_mem>>)
        %dma_wait3A = arith.constant 0 : i32
        %dma_wait3A_21 = tpu.memref_slice %arg7[%mul3A_19, %dma_wait3A] : memref<10008x128xf32, #tpu.memory_space<vmem_shared>> -> memref<1000x128xf32, #tpu.memory_space<vmem_shared>>
        tpu.wait_dma2 semaphore(%run_scoped3A : memref<!tpu.dma_semaphore, #tpu.memory_space<semaphore_mem>>) src(%arg5 : memref<1000x128xf32, #tpu.memory_space<hbm>>) dst(%dma_wait3A_21 : memref<1000x128xf32, #tpu.memory_space<vmem_shared>>)
        tpu.yield
      }) : () -> ()
    } else {
    }
    %scan3A = arith.constant 0 : i32
    %scan3A_2 = arith.constant 0 : i32
    %scan3A_3 = arith.constant 81 : i32
    %scan3A_4 = arith.addi %scan3A_2, %scan3A_3 : i32
    %scan3A_5 = arith.constant 1 : i32
    scf.for %scan3A_19 = %scan3A_2 to %scan3A_4 step %scan3A_5  : i32 {
      %get3A = arith.index_cast %scan3A_19 : i32 to index
      %get3A_20 = arith.constant 0 : index
      %get3A_21 = tpu.vector_load %arg8[%get3A, %get3A_20] {strides = array<i32>} : memref<81x128xi32, #tpu.memory_space<vmem>>, vector<1x16xi32>,
      %get3A_22 = vector.shape_cast %get3A_21 : vector<1x16xi32> to vector<16xi32>
      %mul3A = arith.constant 2 : i32
      %mul3A_23 = vector.broadcast %mul3A : i32 to vector<16xi32>
      %mul3A_24 = arith.muli %get3A_22, %mul3A_23 : vector<16xi32>
      %add3A = vector.broadcast %arg0 : i32 to vector<16xi32>
      %add3A_25 = arith.addi %mul3A_24, %add3A : vector<16xi32>
      %swap3A = arith.index_cast %scan3A_19 : i32 to index
      %swap3A_26 = arith.constant 0 : index
      %swap3A_27 = tpu.vector_load %arg8[%swap3A, %swap3A_26] {strides = array<i32>} : memref<81x128xi32, #tpu.memory_space<vmem>>, vector<1x16xi32>,
      %swap3A_28 = vector.shape_cast %swap3A_27 : vector<1x16xi32> to vector<16xi32>
      %swap3A_29 = vector.shape_cast %add3A_25 : vector<16xi32> to vector<1x16xi32>
      tpu.vector_store %arg8[%swap3A, %swap3A_26], %swap3A_29 {strides = array<i32>} : memref<81x128xi32, #tpu.memory_space<vmem>>, vector<1x16xi32>,
      %get3A_30 = arith.index_cast %scan3A_19 : i32 to index
      %get3A_31 = arith.constant 16 : index
      %get3A_32 = tpu.vector_load %arg8[%get3A_30, %get3A_31] {strides = array<i32>} : memref<81x128xi32, #tpu.memory_space<vmem>>, vector<1x16xi32>,
      %get3A_33 = vector.shape_cast %get3A_32 : vector<1x16xi32> to vector<16xi32>
      %mul3A_34 = arith.constant 2 : i32
      %mul3A_35 = vector.broadcast %mul3A_34 : i32 to vector<16xi32>
      %mul3A_36 = arith.muli %get3A_33, %mul3A_35 : vector<16xi32>
      %add3A_37 = vector.broadcast %arg0 : i32 to vector<16xi32>
      %add3A_38 = arith.addi %mul3A_36, %add3A_37 : vector<16xi32>
      %swap3A_39 = arith.index_cast %scan3A_19 : i32 to index
      %swap3A_40 = arith.constant 16 : index
      %swap3A_41 = tpu.vector_load %arg8[%swap3A_39, %swap3A_40] {strides = array<i32>} : memref<81x128xi32, #tpu.memory_space<vmem>>, vector<1x16xi32>,
      %swap3A_42 = vector.shape_cast %swap3A_41 : vector<1x16xi32> to vector<16xi32>
      %swap3A_43 = vector.shape_cast %add3A_38 : vector<16xi32> to vector<1x16xi32>
      tpu.vector_store %arg8[%swap3A_39, %swap3A_40], %swap3A_43 {strides = array<i32>} : memref<81x128xi32, #tpu.memory_space<vmem>>, vector<1x16xi32>,
      %get3A_44 = arith.index_cast %scan3A_19 : i32 to index
      %get3A_45 = arith.constant 32 : index
      %get3A_46 = tpu.vector_load %arg8[%get3A_44, %get3A_45] {strides = array<i32>} : memref<81x128xi32, #tpu.memory_space<vmem>>, vector<1x16xi32>,
      %get3A_47 = vector.shape_cast %get3A_46 : vector<1x16xi32> to vector<16xi32>
      %mul3A_48 = arith.constant 2 : i32
      %mul3A_49 = vector.broadcast %mul3A_48 : i32 to vector<16xi32>
      %mul3A_50 = arith.muli %get3A_47, %mul3A_49 : vector<16xi32>
      %add3A_51 = vector.broadcast %arg0 : i32 to vector<16xi32>
      %add3A_52 = arith.addi %mul3A_50, %add3A_51 : vector<16xi32>
      %swap3A_53 = arith.index_cast %scan3A_19 : i32 to index
      %swap3A_54 = arith.constant 32 : index
      %swap3A_55 = tpu.vector_load %arg8[%swap3A_53, %swap3A_54] {strides = array<i32>} : memref<81x128xi32, #tpu.memory_space<vmem>>, vector<1x16xi32>,
      %swap3A_56 = vector.shape_cast %swap3A_55 : vector<1x16xi32> to vector<16xi32>
      %swap3A_57 = vector.shape_cast %add3A_52 : vector<16xi32> to vector<1x16xi32>
      tpu.vector_store %arg8[%swap3A_53, %swap3A_54], %swap3A_57 {strides = array<i32>} : memref<81x128xi32, #tpu.memory_space<vmem>>, vector<1x16xi32>,
      %get3A_58 = arith.index_cast %scan3A_19 : i32 to index
      %get3A_59 = arith.constant 48 : index
      %get3A_60 = tpu.vector_load %arg8[%get3A_58, %get3A_59] {strides = array<i32>} : memref<81x128xi32, #tpu.memory_space<vmem>>, vector<1x16xi32>,
      %get3A_61 = vector.shape_cast %get3A_60 : vector<1x16xi32> to vector<16xi32>
      %mul3A_62 = arith.constant 2 : i32
      %mul3A_63 = vector.broadcast %mul3A_62 : i32 to vector<16xi32>
      %mul3A_64 = arith.muli %get3A_61, %mul3A_63 : vector<16xi32>
      %add3A_65 = vector.broadcast %arg0 : i32 to vector<16xi32>
      %add3A_66 = arith.addi %mul3A_64, %add3A_65 : vector<16xi32>
      %swap3A_67 = arith.index_cast %scan3A_19 : i32 to index
      %swap3A_68 = arith.constant 48 : index
      %swap3A_69 = tpu.vector_load %arg8[%swap3A_67, %swap3A_68] {strides = array<i32>} : memref<81x128xi32, #tpu.memory_space<vmem>>, vector<1x16xi32>,
      %swap3A_70 = vector.shape_cast %swap3A_69 : vector<1x16xi32> to vector<16xi32>
      %swap3A_71 = vector.shape_cast %add3A_66 : vector<16xi32> to vector<1x16xi32>
      tpu.vector_store %arg8[%swap3A_67, %swap3A_68], %swap3A_71 {strides = array<i32>} : memref<81x128xi32, #tpu.memory_space<vmem>>, vector<1x16xi32>,
      %get3A_72 = arith.index_cast %scan3A_19 : i32 to index
      %get3A_73 = arith.constant 64 : index
      %get3A_74 = tpu.vector_load %arg8[%get3A_72, %get3A_73] {strides = array<i32>} : memref<81x128xi32, #tpu.memory_space<vmem>>, vector<1x16xi32>,
      %get3A_75 = vector.shape_cast %get3A_74 : vector<1x16xi32> to vector<16xi32>
      %mul3A_76 = arith.constant 2 : i32
      %mul3A_77 = vector.broadcast %mul3A_76 : i32 to vector<16xi32>
      %mul3A_78 = arith.muli %get3A_75, %mul3A_77 : vector<16xi32>
      %add3A_79 = vector.broadcast %arg0 : i32 to vector<16xi32>
      %add3A_80 = arith.addi %mul3A_78, %add3A_79 : vector<16xi32>
      %swap3A_81 = arith.index_cast %scan3A_19 : i32 to index
      %swap3A_82 = arith.constant 64 : index
      %swap3A_83 = tpu.vector_load %arg8[%swap3A_81, %swap3A_82] {strides = array<i32>} : memref<81x128xi32, #tpu.memory_space<vmem>>, vector<1x16xi32>,
      %swap3A_84 = vector.shape_cast %swap3A_83 : vector<1x16xi32> to vector<16xi32>
      %swap3A_85 = vector.shape_cast %add3A_80 : vector<16xi32> to vector<1x16xi32>
      tpu.vector_store %arg8[%swap3A_81, %swap3A_82], %swap3A_85 {strides = array<i32>} : memref<81x128xi32, #tpu.memory_space<vmem>>, vector<1x16xi32>,
      %get3A_86 = arith.index_cast %scan3A_19 : i32 to index
      %get3A_87 = arith.constant 80 : index
      %get3A_88 = tpu.vector_load %arg8[%get3A_86, %get3A_87] {strides = array<i32>} : memref<81x128xi32, #tpu.memory_space<vmem>>, vector<1x16xi32>,
      %get3A_89 = vector.shape_cast %get3A_88 : vector<1x16xi32> to vector<16xi32>
      %mul3A_90 = arith.constant 2 : i32
      %mul3A_91 = vector.broadcast %mul3A_90 : i32 to vector<16xi32>
      %mul3A_92 = arith.muli %get3A_89, %mul3A_91 : vector<16xi32>
      %add3A_93 = vector.broadcast %arg0 : i32 to vector<16xi32>
      %add3A_94 = arith.addi %mul3A_92, %add3A_93 : vector<16xi32>
      %swap3A_95 = arith.index_cast %scan3A_19 : i32 to index
      %swap3A_96 = arith.constant 80 : index
      %swap3A_97 = tpu.vector_load %arg8[%swap3A_95, %swap3A_96] {strides = array<i32>} : memref<81x128xi32, #tpu.memory_space<vmem>>, vector<1x16xi32>,
      %swap3A_98 = vector.shape_cast %swap3A_97 : vector<1x16xi32> to vector<16xi32>
      %swap3A_99 = vector.shape_cast %add3A_94 : vector<16xi32> to vector<1x16xi32>
      tpu.vector_store %arg8[%swap3A_95, %swap3A_96], %swap3A_99 {strides = array<i32>} : memref<81x128xi32, #tpu.memory_space<vmem>>, vector<1x16xi32>,
      %get3A_100 = arith.index_cast %scan3A_19 : i32 to index
      %get3A_101 = arith.constant 96 : index
      %get3A_102 = tpu.vector_load %arg8[%get3A_100, %get3A_101] {strides = array<i32>} : memref<81x128xi32, #tpu.memory_space<vmem>>, vector<1x16xi32>,
      %get3A_103 = vector.shape_cast %get3A_102 : vector<1x16xi32> to vector<16xi32>
      %mul3A_104 = arith.constant 2 : i32
      %mul3A_105 = vector.broadcast %mul3A_104 : i32 to vector<16xi32>
      %mul3A_106 = arith.muli %get3A_103, %mul3A_105 : vector<16xi32>
      %add3A_107 = vector.broadcast %arg0 : i32 to vector<16xi32>
      %add3A_108 = arith.addi %mul3A_106, %add3A_107 : vector<16xi32>
      %swap3A_109 = arith.index_cast %scan3A_19 : i32 to index
      %swap3A_110 = arith.constant 96 : index
      %swap3A_111 = tpu.vector_load %arg8[%swap3A_109, %swap3A_110] {strides = array<i32>} : memref<81x128xi32, #tpu.memory_space<vmem>>, vector<1x16xi32>,
      %swap3A_112 = vector.shape_cast %swap3A_111 : vector<1x16xi32> to vector<16xi32>
      %swap3A_113 = vector.shape_cast %add3A_108 : vector<16xi32> to vector<1x16xi32>
      tpu.vector_store %arg8[%swap3A_109, %swap3A_110], %swap3A_113 {strides = array<i32>} : memref<81x128xi32, #tpu.memory_space<vmem>>, vector<1x16xi32>,
      %get3A_114 = arith.index_cast %scan3A_19 : i32 to index
      %get3A_115 = arith.constant 112 : index
      %get3A_116 = tpu.vector_load %arg8[%get3A_114, %get3A_115] {strides = array<i32>} : memref<81x128xi32, #tpu.memory_space<vmem>>, vector<1x16xi32>,
      %get3A_117 = vector.shape_cast %get3A_116 : vector<1x16xi32> to vector<16xi32>
      %mul3A_118 = arith.constant 2 : i32
      %mul3A_119 = vector.broadcast %mul3A_118 : i32 to vector<16xi32>
      %mul3A_120 = arith.muli %get3A_117, %mul3A_119 : vector<16xi32>
      %add3A_121 = vector.broadcast %arg0 : i32 to vector<16xi32>
      %add3A_122 = arith.addi %mul3A_120, %add3A_121 : vector<16xi32>
      %swap3A_123 = arith.index_cast %scan3A_19 : i32 to index
      %swap3A_124 = arith.constant 112 : index
      %swap3A_125 = tpu.vector_load %arg8[%swap3A_123, %swap3A_124] {strides = array<i32>} : memref<81x128xi32, #tpu.memory_space<vmem>>, vector<1x16xi32>,
      %swap3A_126 = vector.shape_cast %swap3A_125 : vector<1x16xi32> to vector<16xi32>
      %swap3A_127 = vector.shape_cast %add3A_122 : vector<16xi32> to vector<1x16xi32>
      tpu.vector_store %arg8[%swap3A_123, %swap3A_124], %swap3A_127 {strides = array<i32>} : memref<81x128xi32, #tpu.memory_space<vmem>>, vector<1x16xi32>,
    }
    %scan3A_6 = arith.constant 81 : i32
    %barrier3A = arith.constant 0 : index
    tpu.barrier barrier_id(%barrier3A)
    %scan3A_7 = arith.constant 0 : i32
    %scan3A_8 = arith.constant 0 : i32
    %scan3A_9 = arith.constant 80 : i32
    %scan3A_10 = arith.addi %scan3A_8, %scan3A_9 : i32
    %scan3A_11 = arith.constant 1 : i32
    scf.for %scan3A_19 = %scan3A_8 to %scan3A_10 step %scan3A_11  : i32 {
      "tpu.region"() ({
        %run_scoped3A = tpu.sem_alloc : memref<!tpu.dma_semaphore, #tpu.memory_space<semaphore_mem>>
        %dma_start3A = arith.constant 0 : i32
        %dma_start3A_20 = tpu.memref_slice %arg8[%scan3A_19, %dma_start3A] : memref<81x128xi32, #tpu.memory_space<vmem>> -> memref<1x128xi32, #tpu.memory_space<vmem>>
        %dma_start3A_21 = tpu.memref_squeeze %dma_start3A_20 : memref<1x128xi32, #tpu.memory_space<vmem>> -> memref<128xi32, #tpu.memory_space<vmem>>
        %dma_start3A_22 = arith.constant 0 : i32
        %dma_start3A_23 = arith.constant 0 : i32
        %dma_start3A_24 = tpu.memref_slice %arg2[%dma_start3A_22, %dma_start3A_23] : memref<20000x128xf32, #tpu.memory_space<hbm>> -> memref<20000x128xf32, #tpu.memory_space<hbm>>
        tpu.enqueue_indirect_dma source(%dma_start3A_24 : memref<20000x128xf32, #tpu.memory_space<hbm>>) target(%arg10 : memref<128x128xf32, #tpu.memory_space<vmem>>) offsets(%dma_start3A_21 : memref<128xi32, #tpu.memory_space<vmem>>) semaphore(%run_scoped3A : memref<!tpu.dma_semaphore, #tpu.memory_space<semaphore_mem>>)
        %dma_wait3A = arith.constant 0 : i32
        %dma_wait3A_25 = tpu.memref_slice %arg8[%scan3A_19, %dma_wait3A] : memref<81x128xi32, #tpu.memory_space<vmem>> -> memref<1x128xi32, #tpu.memory_space<vmem>>
        %dma_wait3A_26 = tpu.memref_squeeze %dma_wait3A_25 : memref<1x128xi32, #tpu.memory_space<vmem>> -> memref<128xi32, #tpu.memory_space<vmem>>
        %dma_wait3A_27 = arith.constant 0 : i32
        %dma_wait3A_28 = arith.constant 0 : i32
        %dma_wait3A_29 = tpu.memref_slice %arg2[%dma_wait3A_27, %dma_wait3A_28] : memref<20000x128xf32, #tpu.memory_space<hbm>> -> memref<20000x128xf32, #tpu.memory_space<hbm>>
        tpu.wait_indirect_dma semaphore(%run_scoped3A : memref<!tpu.dma_semaphore, #tpu.memory_space<semaphore_mem>>) src(%dma_wait3A_29 : memref<20000x128xf32, #tpu.memory_space<hbm>>) dst(%arg10 : memref<128x128xf32, #tpu.memory_space<vmem>>)
        tpu.yield
      }) : () -> ()
      "tpu.region"() ({
        %run_scoped3A = tpu.sem_alloc : memref<!tpu.dma_semaphore, #tpu.memory_space<semaphore_mem>>
        %dma_start3A = arith.constant 0 : i32
        %dma_start3A_20 = tpu.memref_slice %arg9[%scan3A_19, %dma_start3A] : memref<80x128xi32, #tpu.memory_space<vmem>> -> memref<1x128xi32, #tpu.memory_space<vmem>>
        %dma_start3A_21 = tpu.memref_squeeze %dma_start3A_20 : memref<1x128xi32, #tpu.memory_space<vmem>> -> memref<128xi32, #tpu.memory_space<vmem>>
        %dma_start3A_22 = arith.constant 0 : i32
        %dma_start3A_23 = arith.constant 0 : i32
        %dma_start3A_24 = tpu.memref_slice %arg7[%dma_start3A_22, %dma_start3A_23] : memref<10008x128xf32, #tpu.memory_space<vmem_shared>> -> memref<10008x128xf32, #tpu.memory_space<vmem_shared>>
        tpu.enqueue_indirect_dma source(%arg10 : memref<128x128xf32, #tpu.memory_space<vmem>>) target(%dma_start3A_24 : memref<10008x128xf32, #tpu.memory_space<vmem_shared>>) offsets(%dma_start3A_21 : memref<128xi32, #tpu.memory_space<vmem>>) semaphore(%run_scoped3A : memref<!tpu.dma_semaphore, #tpu.memory_space<semaphore_mem>>) {add = true}
        %dma_wait3A = arith.constant 0 : i32
        %dma_wait3A_25 = tpu.memref_slice %arg9[%scan3A_19, %dma_wait3A] : memref<80x128xi32, #tpu.memory_space<vmem>> -> memref<1x128xi32, #tpu.memory_space<vmem>>
        %dma_wait3A_26 = tpu.memref_squeeze %dma_wait3A_25 : memref<1x128xi32, #tpu.memory_space<vmem>> -> memref<128xi32, #tpu.memory_space<vmem>>
        %dma_wait3A_27 = arith.constant 0 : i32
        %dma_wait3A_28 = arith.constant 0 : i32
        %dma_wait3A_29 = tpu.memref_slice %arg7[%dma_wait3A_27, %dma_wait3A_28] : memref<10008x128xf32, #tpu.memory_space<vmem_shared>> -> memref<10008x128xf32, #tpu.memory_space<vmem_shared>>
        tpu.wait_indirect_dma semaphore(%run_scoped3A : memref<!tpu.dma_semaphore, #tpu.memory_space<semaphore_mem>>) src(%arg10 : memref<128x128xf32, #tpu.memory_space<vmem>>) dst(%dma_wait3A_29 : memref<10008x128xf32, #tpu.memory_space<vmem_shared>>)
        tpu.yield
      }) : () -> ()
    }
    %scan3A_12 = arith.constant 80 : i32
    %barrier3A_13 = arith.constant 0 : index
    tpu.barrier barrier_id(%barrier3A_13)
    %lt3A_14 = arith.constant 10 : i32
    %lt3A_15 = arith.cmpi slt, %arg1, %lt3A_14 : i32
    %convert_element_type3A_16 = arith.extui %lt3A_15 : i1 to i32
    %cond3A_17 = arith.constant 0 : i32
    %cond3A_18 = arith.cmpi ne, %convert_element_type3A_16, %cond3A_17 : i32
    scf.if %cond3A_18 {
      %mul3A = arith.constant 1000 : i32
      %mul3A_19 = arith.muli %arg1, %mul3A : i32
      %mul3A_20 = arith.constant 1000 : i32
      %mul3A_21 = arith.muli %arg1, %mul3A_20 : i32
      "tpu.region"() ({
        %run_scoped3A = tpu.sem_alloc : memref<!tpu.dma_semaphore, #tpu.memory_space<semaphore_mem>>
        %dma_start3A = arith.constant 0 : i32
        %dma_start3A_22 = tpu.memref_slice %arg6[%arg0, %mul3A_21, %dma_start3A] : memref<2x10000x128xf32, #tpu.memory_space<hbm>> -> memref<1x1000x128xf32, #tpu.memory_space<hbm>>
        %dma_start3A_23 = tpu.memref_squeeze %dma_start3A_22 : memref<1x1000x128xf32, #tpu.memory_space<hbm>> -> memref<1000x128xf32, #tpu.memory_space<hbm>>
        %dma_start3A_24 = arith.constant 0 : i32
        %dma_start3A_25 = tpu.memref_slice %arg7[%mul3A_19, %dma_start3A_24] : memref<10008x128xf32, #tpu.memory_space<vmem_shared>> -> memref<1000x128xf32, #tpu.memory_space<vmem_shared>>
        tpu.enqueue_dma source(%dma_start3A_25 : memref<1000x128xf32, #tpu.memory_space<vmem_shared>>) target(%dma_start3A_23 : memref<1000x128xf32, #tpu.memory_space<hbm>>) target_semaphore(%run_scoped3A : memref<!tpu.dma_semaphore, #tpu.memory_space<semaphore_mem>>)
        %dma_wait3A = arith.constant 0 : i32
        %dma_wait3A_26 = tpu.memref_slice %arg6[%arg0, %mul3A_21, %dma_wait3A] : memref<2x10000x128xf32, #tpu.memory_space<hbm>> -> memref<1x1000x128xf32, #tpu.memory_space<hbm>>
        %dma_wait3A_27 = tpu.memref_squeeze %dma_wait3A_26 : memref<1x1000x128xf32, #tpu.memory_space<hbm>> -> memref<1000x128xf32, #tpu.memory_space<hbm>>
        %dma_wait3A_28 = arith.constant 0 : i32
        %dma_wait3A_29 = tpu.memref_slice %arg7[%mul3A_19, %dma_wait3A_28] : memref<10008x128xf32, #tpu.memory_space<vmem_shared>> -> memref<1000x128xf32, #tpu.memory_space<vmem_shared>>
        tpu.wait_dma2 semaphore(%run_scoped3A : memref<!tpu.dma_semaphore, #tpu.memory_space<semaphore_mem>>) src(%dma_wait3A_29 : memref<1000x128xf32, #tpu.memory_space<vmem_shared>>) dst(%dma_wait3A_27 : memref<1000x128xf32, #tpu.memory_space<hbm>>)
        tpu.yield
      }) : () -> ()
    } else {
    }
    return
  }
}

#map = affine_map<(d0, d1) -> (0, 0)>
#map1 = affine_map<(d0, d1) -> (0, 0, 0)>
module attributes {stable_mosaic.version = 14 : i64} {
  func.func @_agg_kernel(%arg0: i32, %arg1: i32, %arg2: memref<20000x128xf32, #tpu.memory_space<hbm>>, %arg3: memref<16x81x128xi32, #tpu.memory_space<hbm>>, %arg4: memref<16x80x128xi32, #tpu.memory_space<hbm>>, %arg5: memref<1000x128xf32, #tpu.memory_space<hbm>>, %arg6: memref<2x10000x128xf32, #tpu.memory_space<hbm>>, %arg7: memref<10008x128xf32, #tpu.memory_space<vmem_shared>>, %arg8: memref<81x128xi32, #tpu.memory_space<vmem>>, %arg9: memref<80x128xi32, #tpu.memory_space<vmem>>, %arg10: memref<128x128xf32, #tpu.memory_space<vmem>>) attributes {dimension_semantics = [#tpu.dimension_semantics<core_parallel>, #tpu.dimension_semantics<subcore_parallel>], iteration_bounds = array<i64: 2, 16>, scalar_prefetch = 0 : i64, scratch_operands = 4 : i64, tpu.core_type = #tpu.core_type<sc_vector_subcore>, window_params = [{transform_indices = #map}, {transform_indices = #map1}, {transform_indices = #map1}, {transform_indices = #map}, {transform_indices = #map1}]} {
    "tpu.region"() ({
      %run_scoped3A = tpu.sem_alloc : memref<!tpu.dma_semaphore, #tpu.memory_space<semaphore_mem>>
      %dma_start3A = arith.constant 0 : i32
      %dma_start3A_19 = arith.constant 0 : i32
      %dma_start3A_20 = tpu.memref_slice %arg3[%arg1, %dma_start3A, %dma_start3A_19] : memref<16x81x128xi32, #tpu.memory_space<hbm>> -> memref<1x81x128xi32, #tpu.memory_space<hbm>>
      %dma_start3A_21 = tpu.memref_squeeze %dma_start3A_20 : memref<1x81x128xi32, #tpu.memory_space<hbm>> -> memref<81x128xi32, #tpu.memory_space<hbm>>
      %dma_start3A_22 = arith.constant 0 : i32
      %dma_start3A_23 = arith.constant 0 : i32
      %dma_start3A_24 = tpu.memref_slice %arg3[%arg1, %dma_start3A_22, %dma_start3A_23] : memref<16x81x128xi32, #tpu.memory_space<hbm>> -> memref<1x81x128xi32, #tpu.memory_space<hbm>>
      %dma_start3A_25 = tpu.memref_squeeze %dma_start3A_24 : memref<1x81x128xi32, #tpu.memory_space<hbm>> -> memref<81x128xi32, #tpu.memory_space<hbm>>
      tpu.enqueue_dma source(%dma_start3A_25 : memref<81x128xi32, #tpu.memory_space<hbm>>) target(%arg8 : memref<81x128xi32, #tpu.memory_space<vmem>>) target_semaphore(%run_scoped3A : memref<!tpu.dma_semaphore, #tpu.memory_space<semaphore_mem>>)
      %dma_wait3A = arith.constant 0 : i32
      %dma_wait3A_26 = arith.constant 0 : i32
      %dma_wait3A_27 = tpu.memref_slice %arg3[%arg1, %dma_wait3A, %dma_wait3A_26] : memref<16x81x128xi32, #tpu.memory_space<hbm>> -> memref<1x81x128xi32, #tpu.memory_space<hbm>>
      %dma_wait3A_28 = tpu.memref_squeeze %dma_wait3A_27 : memref<1x81x128xi32, #tpu.memory_space<hbm>> -> memref<81x128xi32, #tpu.memory_space<hbm>>
      %dma_wait3A_29 = arith.constant 0 : i32
      %dma_wait3A_30 = arith.constant 0 : i32
      %dma_wait3A_31 = tpu.memref_slice %arg3[%arg1, %dma_wait3A_29, %dma_wait3A_30] : memref<16x81x128xi32, #tpu.memory_space<hbm>> -> memref<1x81x128xi32, #tpu.memory_space<hbm>>
      %dma_wait3A_32 = tpu.memref_squeeze %dma_wait3A_31 : memref<1x81x128xi32, #tpu.memory_space<hbm>> -> memref<81x128xi32, #tpu.memory_space<hbm>>
      tpu.wait_dma2 semaphore(%run_scoped3A : memref<!tpu.dma_semaphore, #tpu.memory_space<semaphore_mem>>) src(%dma_wait3A_32 : memref<81x128xi32, #tpu.memory_space<hbm>>) dst(%arg8 : memref<81x128xi32, #tpu.memory_space<vmem>>)
      tpu.yield
    }) : () -> ()
    "tpu.region"() ({
      %run_scoped3A = tpu.sem_alloc : memref<!tpu.dma_semaphore, #tpu.memory_space<semaphore_mem>>
      %dma_start3A = arith.constant 0 : i32
      %dma_start3A_19 = arith.constant 0 : i32
      %dma_start3A_20 = tpu.memref_slice %arg4[%arg1, %dma_start3A, %dma_start3A_19] : memref<16x80x128xi32, #tpu.memory_space<hbm>> -> memref<1x80x128xi32, #tpu.memory_space<hbm>>
      %dma_start3A_21 = tpu.memref_squeeze %dma_start3A_20 : memref<1x80x128xi32, #tpu.memory_space<hbm>> -> memref<80x128xi32, #tpu.memory_space<hbm>>
      %dma_start3A_22 = arith.constant 0 : i32
      %dma_start3A_23 = arith.constant 0 : i32
      %dma_start3A_24 = tpu.memref_slice %arg4[%arg1, %dma_start3A_22, %dma_start3A_23] : memref<16x80x128xi32, #tpu.memory_space<hbm>> -> memref<1x80x128xi32, #tpu.memory_space<hbm>>
      %dma_start3A_25 = tpu.memref_squeeze %dma_start3A_24 : memref<1x80x128xi32, #tpu.memory_space<hbm>> -> memref<80x128xi32, #tpu.memory_space<hbm>>
      tpu.enqueue_dma source(%dma_start3A_25 : memref<80x128xi32, #tpu.memory_space<hbm>>) target(%arg9 : memref<80x128xi32, #tpu.memory_space<vmem>>) target_semaphore(%run_scoped3A : memref<!tpu.dma_semaphore, #tpu.memory_space<semaphore_mem>>)
      %dma_wait3A = arith.constant 0 : i32
      %dma_wait3A_26 = arith.constant 0 : i32
      %dma_wait3A_27 = tpu.memref_slice %arg4[%arg1, %dma_wait3A, %dma_wait3A_26] : memref<16x80x128xi32, #tpu.memory_space<hbm>> -> memref<1x80x128xi32, #tpu.memory_space<hbm>>
      %dma_wait3A_28 = tpu.memref_squeeze %dma_wait3A_27 : memref<1x80x128xi32, #tpu.memory_space<hbm>> -> memref<80x128xi32, #tpu.memory_space<hbm>>
      %dma_wait3A_29 = arith.constant 0 : i32
      %dma_wait3A_30 = arith.constant 0 : i32
      %dma_wait3A_31 = tpu.memref_slice %arg4[%arg1, %dma_wait3A_29, %dma_wait3A_30] : memref<16x80x128xi32, #tpu.memory_space<hbm>> -> memref<1x80x128xi32, #tpu.memory_space<hbm>>
      %dma_wait3A_32 = tpu.memref_squeeze %dma_wait3A_31 : memref<1x80x128xi32, #tpu.memory_space<hbm>> -> memref<80x128xi32, #tpu.memory_space<hbm>>
      tpu.wait_dma2 semaphore(%run_scoped3A : memref<!tpu.dma_semaphore, #tpu.memory_space<semaphore_mem>>) src(%dma_wait3A_32 : memref<80x128xi32, #tpu.memory_space<hbm>>) dst(%arg9 : memref<80x128xi32, #tpu.memory_space<vmem>>)
      tpu.yield
    }) : () -> ()
    %lt3A = arith.constant 10 : i32
    %lt3A_0 = arith.cmpi slt, %arg1, %lt3A : i32
    %convert_element_type3A = arith.extui %lt3A_0 : i1 to i32
    %cond3A = arith.constant 0 : i32
    %cond3A_1 = arith.cmpi ne, %convert_element_type3A, %cond3A : i32
    scf.if %cond3A_1 {
      %mul3A = arith.constant 1000 : i32
      %mul3A_19 = arith.muli %arg1, %mul3A : i32
      "tpu.region"() ({
        %run_scoped3A = tpu.sem_alloc : memref<!tpu.dma_semaphore, #tpu.memory_space<semaphore_mem>>
        %dma_start3A = arith.constant 0 : i32
        %dma_start3A_20 = tpu.memref_slice %arg7[%mul3A_19, %dma_start3A] : memref<10008x128xf32, #tpu.memory_space<vmem_shared>> -> memref<1000x128xf32, #tpu.memory_space<vmem_shared>>
        tpu.enqueue_dma source(%arg5 : memref<1000x128xf32, #tpu.memory_space<hbm>>) target(%dma_start3A_20 : memref<1000x128xf32, #tpu.memory_space<vmem_shared>>) target_semaphore(%run_scoped3A : memref<!tpu.dma_semaphore, #tpu.memory_space<semaphore_mem>>)
        %dma_wait3A = arith.constant 0 : i32
        %dma_wait3A_21 = tpu.memref_slice %arg7[%mul3A_19, %dma_wait3A] : memref<10008x128xf32, #tpu.memory_space<vmem_shared>> -> memref<1000x128xf32, #tpu.memory_space<vmem_shared>>
        tpu.wait_dma2 semaphore(%run_scoped3A : memref<!tpu.dma_semaphore, #tpu.memory_space<semaphore_mem>>) src(%arg5 : memref<1000x128xf32, #tpu.memory_space<hbm>>) dst(%dma_wait3A_21 : memref<1000x128xf32, #tpu.memory_space<vmem_shared>>)
        tpu.yield
      }) : () -> ()
    } else {
    }
    %scan3A = arith.constant 0 : i32
    %scan3A_2 = arith.constant 0 : i32
    %scan3A_3 = arith.constant 81 : i32
    %scan3A_4 = arith.addi %scan3A_2, %scan3A_3 : i32
    %scan3A_5 = arith.constant 1 : i32
    scf.for %scan3A_19 = %scan3A_2 to %scan3A_4 step %scan3A_5  : i32 {
      %get3A = arith.index_cast %scan3A_19 : i32 to index
      %get3A_20 = arith.constant 0 : index
      %get3A_21 = tpu.vector_load %arg8[%get3A, %get3A_20] {strides = array<i32>} : memref<81x128xi32, #tpu.memory_space<vmem>>, vector<1x16xi32>,
      %get3A_22 = vector.shape_cast %get3A_21 : vector<1x16xi32> to vector<16xi32>
      %mul3A = arith.constant 2 : i32
      %mul3A_23 = vector.broadcast %mul3A : i32 to vector<16xi32>
      %mul3A_24 = arith.muli %get3A_22, %mul3A_23 : vector<16xi32>
      %add3A = vector.broadcast %arg0 : i32 to vector<16xi32>
      %add3A_25 = arith.addi %mul3A_24, %add3A : vector<16xi32>
      %swap3A = arith.index_cast %scan3A_19 : i32 to index
      %swap3A_26 = arith.constant 0 : index
      %swap3A_27 = tpu.vector_load %arg8[%swap3A, %swap3A_26] {strides = array<i32>} : memref<81x128xi32, #tpu.memory_space<vmem>>, vector<1x16xi32>,
      %swap3A_28 = vector.shape_cast %swap3A_27 : vector<1x16xi32> to vector<16xi32>
      %swap3A_29 = vector.shape_cast %add3A_25 : vector<16xi32> to vector<1x16xi32>
      tpu.vector_store %arg8[%swap3A, %swap3A_26], %swap3A_29 {strides = array<i32>} : memref<81x128xi32, #tpu.memory_space<vmem>>, vector<1x16xi32>,
      %get3A_30 = arith.index_cast %scan3A_19 : i32 to index
      %get3A_31 = arith.constant 16 : index
      %get3A_32 = tpu.vector_load %arg8[%get3A_30, %get3A_31] {strides = array<i32>} : memref<81x128xi32, #tpu.memory_space<vmem>>, vector<1x16xi32>,
      %get3A_33 = vector.shape_cast %get3A_32 : vector<1x16xi32> to vector<16xi32>
      %mul3A_34 = arith.constant 2 : i32
      %mul3A_35 = vector.broadcast %mul3A_34 : i32 to vector<16xi32>
      %mul3A_36 = arith.muli %get3A_33, %mul3A_35 : vector<16xi32>
      %add3A_37 = vector.broadcast %arg0 : i32 to vector<16xi32>
      %add3A_38 = arith.addi %mul3A_36, %add3A_37 : vector<16xi32>
      %swap3A_39 = arith.index_cast %scan3A_19 : i32 to index
      %swap3A_40 = arith.constant 16 : index
      %swap3A_41 = tpu.vector_load %arg8[%swap3A_39, %swap3A_40] {strides = array<i32>} : memref<81x128xi32, #tpu.memory_space<vmem>>, vector<1x16xi32>,
      %swap3A_42 = vector.shape_cast %swap3A_41 : vector<1x16xi32> to vector<16xi32>
      %swap3A_43 = vector.shape_cast %add3A_38 : vector<16xi32> to vector<1x16xi32>
      tpu.vector_store %arg8[%swap3A_39, %swap3A_40], %swap3A_43 {strides = array<i32>} : memref<81x128xi32, #tpu.memory_space<vmem>>, vector<1x16xi32>,
      %get3A_44 = arith.index_cast %scan3A_19 : i32 to index
      %get3A_45 = arith.constant 32 : index
      %get3A_46 = tpu.vector_load %arg8[%get3A_44, %get3A_45] {strides = array<i32>} : memref<81x128xi32, #tpu.memory_space<vmem>>, vector<1x16xi32>,
      %get3A_47 = vector.shape_cast %get3A_46 : vector<1x16xi32> to vector<16xi32>
      %mul3A_48 = arith.constant 2 : i32
      %mul3A_49 = vector.broadcast %mul3A_48 : i32 to vector<16xi32>
      %mul3A_50 = arith.muli %get3A_47, %mul3A_49 : vector<16xi32>
      %add3A_51 = vector.broadcast %arg0 : i32 to vector<16xi32>
      %add3A_52 = arith.addi %mul3A_50, %add3A_51 : vector<16xi32>
      %swap3A_53 = arith.index_cast %scan3A_19 : i32 to index
      %swap3A_54 = arith.constant 32 : index
      %swap3A_55 = tpu.vector_load %arg8[%swap3A_53, %swap3A_54] {strides = array<i32>} : memref<81x128xi32, #tpu.memory_space<vmem>>, vector<1x16xi32>,
      %swap3A_56 = vector.shape_cast %swap3A_55 : vector<1x16xi32> to vector<16xi32>
      %swap3A_57 = vector.shape_cast %add3A_52 : vector<16xi32> to vector<1x16xi32>
      tpu.vector_store %arg8[%swap3A_53, %swap3A_54], %swap3A_57 {strides = array<i32>} : memref<81x128xi32, #tpu.memory_space<vmem>>, vector<1x16xi32>,
      %get3A_58 = arith.index_cast %scan3A_19 : i32 to index
      %get3A_59 = arith.constant 48 : index
      %get3A_60 = tpu.vector_load %arg8[%get3A_58, %get3A_59] {strides = array<i32>} : memref<81x128xi32, #tpu.memory_space<vmem>>, vector<1x16xi32>,
      %get3A_61 = vector.shape_cast %get3A_60 : vector<1x16xi32> to vector<16xi32>
      %mul3A_62 = arith.constant 2 : i32
      %mul3A_63 = vector.broadcast %mul3A_62 : i32 to vector<16xi32>
      %mul3A_64 = arith.muli %get3A_61, %mul3A_63 : vector<16xi32>
      %add3A_65 = vector.broadcast %arg0 : i32 to vector<16xi32>
      %add3A_66 = arith.addi %mul3A_64, %add3A_65 : vector<16xi32>
      %swap3A_67 = arith.index_cast %scan3A_19 : i32 to index
      %swap3A_68 = arith.constant 48 : index
      %swap3A_69 = tpu.vector_load %arg8[%swap3A_67, %swap3A_68] {strides = array<i32>} : memref<81x128xi32, #tpu.memory_space<vmem>>, vector<1x16xi32>,
      %swap3A_70 = vector.shape_cast %swap3A_69 : vector<1x16xi32> to vector<16xi32>
      %swap3A_71 = vector.shape_cast %add3A_66 : vector<16xi32> to vector<1x16xi32>
      tpu.vector_store %arg8[%swap3A_67, %swap3A_68], %swap3A_71 {strides = array<i32>} : memref<81x128xi32, #tpu.memory_space<vmem>>, vector<1x16xi32>,
      %get3A_72 = arith.index_cast %scan3A_19 : i32 to index
      %get3A_73 = arith.constant 64 : index
      %get3A_74 = tpu.vector_load %arg8[%get3A_72, %get3A_73] {strides = array<i32>} : memref<81x128xi32, #tpu.memory_space<vmem>>, vector<1x16xi32>,
      %get3A_75 = vector.shape_cast %get3A_74 : vector<1x16xi32> to vector<16xi32>
      %mul3A_76 = arith.constant 2 : i32
      %mul3A_77 = vector.broadcast %mul3A_76 : i32 to vector<16xi32>
      %mul3A_78 = arith.muli %get3A_75, %mul3A_77 : vector<16xi32>
      %add3A_79 = vector.broadcast %arg0 : i32 to vector<16xi32>
      %add3A_80 = arith.addi %mul3A_78, %add3A_79 : vector<16xi32>
      %swap3A_81 = arith.index_cast %scan3A_19 : i32 to index
      %swap3A_82 = arith.constant 64 : index
      %swap3A_83 = tpu.vector_load %arg8[%swap3A_81, %swap3A_82] {strides = array<i32>} : memref<81x128xi32, #tpu.memory_space<vmem>>, vector<1x16xi32>,
      %swap3A_84 = vector.shape_cast %swap3A_83 : vector<1x16xi32> to vector<16xi32>
      %swap3A_85 = vector.shape_cast %add3A_80 : vector<16xi32> to vector<1x16xi32>
      tpu.vector_store %arg8[%swap3A_81, %swap3A_82], %swap3A_85 {strides = array<i32>} : memref<81x128xi32, #tpu.memory_space<vmem>>, vector<1x16xi32>,
      %get3A_86 = arith.index_cast %scan3A_19 : i32 to index
      %get3A_87 = arith.constant 80 : index
      %get3A_88 = tpu.vector_load %arg8[%get3A_86, %get3A_87] {strides = array<i32>} : memref<81x128xi32, #tpu.memory_space<vmem>>, vector<1x16xi32>,
      %get3A_89 = vector.shape_cast %get3A_88 : vector<1x16xi32> to vector<16xi32>
      %mul3A_90 = arith.constant 2 : i32
      %mul3A_91 = vector.broadcast %mul3A_90 : i32 to vector<16xi32>
      %mul3A_92 = arith.muli %get3A_89, %mul3A_91 : vector<16xi32>
      %add3A_93 = vector.broadcast %arg0 : i32 to vector<16xi32>
      %add3A_94 = arith.addi %mul3A_92, %add3A_93 : vector<16xi32>
      %swap3A_95 = arith.index_cast %scan3A_19 : i32 to index
      %swap3A_96 = arith.constant 80 : index
      %swap3A_97 = tpu.vector_load %arg8[%swap3A_95, %swap3A_96] {strides = array<i32>} : memref<81x128xi32, #tpu.memory_space<vmem>>, vector<1x16xi32>,
      %swap3A_98 = vector.shape_cast %swap3A_97 : vector<1x16xi32> to vector<16xi32>
      %swap3A_99 = vector.shape_cast %add3A_94 : vector<16xi32> to vector<1x16xi32>
      tpu.vector_store %arg8[%swap3A_95, %swap3A_96], %swap3A_99 {strides = array<i32>} : memref<81x128xi32, #tpu.memory_space<vmem>>, vector<1x16xi32>,
      %get3A_100 = arith.index_cast %scan3A_19 : i32 to index
      %get3A_101 = arith.constant 96 : index
      %get3A_102 = tpu.vector_load %arg8[%get3A_100, %get3A_101] {strides = array<i32>} : memref<81x128xi32, #tpu.memory_space<vmem>>, vector<1x16xi32>,
      %get3A_103 = vector.shape_cast %get3A_102 : vector<1x16xi32> to vector<16xi32>
      %mul3A_104 = arith.constant 2 : i32
      %mul3A_105 = vector.broadcast %mul3A_104 : i32 to vector<16xi32>
      %mul3A_106 = arith.muli %get3A_103, %mul3A_105 : vector<16xi32>
      %add3A_107 = vector.broadcast %arg0 : i32 to vector<16xi32>
      %add3A_108 = arith.addi %mul3A_106, %add3A_107 : vector<16xi32>
      %swap3A_109 = arith.index_cast %scan3A_19 : i32 to index
      %swap3A_110 = arith.constant 96 : index
      %swap3A_111 = tpu.vector_load %arg8[%swap3A_109, %swap3A_110] {strides = array<i32>} : memref<81x128xi32, #tpu.memory_space<vmem>>, vector<1x16xi32>,
      %swap3A_112 = vector.shape_cast %swap3A_111 : vector<1x16xi32> to vector<16xi32>
      %swap3A_113 = vector.shape_cast %add3A_108 : vector<16xi32> to vector<1x16xi32>
      tpu.vector_store %arg8[%swap3A_109, %swap3A_110], %swap3A_113 {strides = array<i32>} : memref<81x128xi32, #tpu.memory_space<vmem>>, vector<1x16xi32>,
      %get3A_114 = arith.index_cast %scan3A_19 : i32 to index
      %get3A_115 = arith.constant 112 : index
      %get3A_116 = tpu.vector_load %arg8[%get3A_114, %get3A_115] {strides = array<i32>} : memref<81x128xi32, #tpu.memory_space<vmem>>, vector<1x16xi32>,
      %get3A_117 = vector.shape_cast %get3A_116 : vector<1x16xi32> to vector<16xi32>
      %mul3A_118 = arith.constant 2 : i32
      %mul3A_119 = vector.broadcast %mul3A_118 : i32 to vector<16xi32>
      %mul3A_120 = arith.muli %get3A_117, %mul3A_119 : vector<16xi32>
      %add3A_121 = vector.broadcast %arg0 : i32 to vector<16xi32>
      %add3A_122 = arith.addi %mul3A_120, %add3A_121 : vector<16xi32>
      %swap3A_123 = arith.index_cast %scan3A_19 : i32 to index
      %swap3A_124 = arith.constant 112 : index
      %swap3A_125 = tpu.vector_load %arg8[%swap3A_123, %swap3A_124] {strides = array<i32>} : memref<81x128xi32, #tpu.memory_space<vmem>>, vector<1x16xi32>,
      %swap3A_126 = vector.shape_cast %swap3A_125 : vector<1x16xi32> to vector<16xi32>
      %swap3A_127 = vector.shape_cast %add3A_122 : vector<16xi32> to vector<1x16xi32>
      tpu.vector_store %arg8[%swap3A_123, %swap3A_124], %swap3A_127 {strides = array<i32>} : memref<81x128xi32, #tpu.memory_space<vmem>>, vector<1x16xi32>,
    }
    %scan3A_6 = arith.constant 81 : i32
    %barrier3A = arith.constant 0 : index
    tpu.barrier barrier_id(%barrier3A)
    %scan3A_7 = arith.constant 0 : i32
    %scan3A_8 = arith.constant 0 : i32
    %scan3A_9 = arith.constant 80 : i32
    %scan3A_10 = arith.addi %scan3A_8, %scan3A_9 : i32
    %scan3A_11 = arith.constant 1 : i32
    scf.for %scan3A_19 = %scan3A_8 to %scan3A_10 step %scan3A_11  : i32 {
      "tpu.region"() ({
        %run_scoped3A = tpu.sem_alloc : memref<!tpu.dma_semaphore, #tpu.memory_space<semaphore_mem>>
        %dma_start3A = arith.constant 0 : i32
        %dma_start3A_20 = tpu.memref_slice %arg8[%scan3A_19, %dma_start3A] : memref<81x128xi32, #tpu.memory_space<vmem>> -> memref<1x128xi32, #tpu.memory_space<vmem>>
        %dma_start3A_21 = tpu.memref_squeeze %dma_start3A_20 : memref<1x128xi32, #tpu.memory_space<vmem>> -> memref<128xi32, #tpu.memory_space<vmem>>
        %dma_start3A_22 = arith.constant 0 : i32
        %dma_start3A_23 = arith.constant 0 : i32
        %dma_start3A_24 = tpu.memref_slice %arg2[%dma_start3A_22, %dma_start3A_23] : memref<20000x128xf32, #tpu.memory_space<hbm>> -> memref<20000x128xf32, #tpu.memory_space<hbm>>
        tpu.enqueue_indirect_dma source(%dma_start3A_24 : memref<20000x128xf32, #tpu.memory_space<hbm>>) target(%arg10 : memref<128x128xf32, #tpu.memory_space<vmem>>) offsets(%dma_start3A_21 : memref<128xi32, #tpu.memory_space<vmem>>) semaphore(%run_scoped3A : memref<!tpu.dma_semaphore, #tpu.memory_space<semaphore_mem>>)
        %dma_wait3A = arith.constant 0 : i32
        %dma_wait3A_25 = tpu.memref_slice %arg8[%scan3A_19, %dma_wait3A] : memref<81x128xi32, #tpu.memory_space<vmem>> -> memref<1x128xi32, #tpu.memory_space<vmem>>
        %dma_wait3A_26 = tpu.memref_squeeze %dma_wait3A_25 : memref<1x128xi32, #tpu.memory_space<vmem>> -> memref<128xi32, #tpu.memory_space<vmem>>
        %dma_wait3A_27 = arith.constant 0 : i32
        %dma_wait3A_28 = arith.constant 0 : i32
        %dma_wait3A_29 = tpu.memref_slice %arg2[%dma_wait3A_27, %dma_wait3A_28] : memref<20000x128xf32, #tpu.memory_space<hbm>> -> memref<20000x128xf32, #tpu.memory_space<hbm>>
        tpu.wait_indirect_dma semaphore(%run_scoped3A : memref<!tpu.dma_semaphore, #tpu.memory_space<semaphore_mem>>) src(%dma_wait3A_29 : memref<20000x128xf32, #tpu.memory_space<hbm>>) dst(%arg10 : memref<128x128xf32, #tpu.memory_space<vmem>>)
        tpu.yield
      }) : () -> ()
      "tpu.region"() ({
        %run_scoped3A = tpu.sem_alloc : memref<!tpu.dma_semaphore, #tpu.memory_space<semaphore_mem>>
        %dma_start3A = arith.constant 0 : i32
        %dma_start3A_20 = tpu.memref_slice %arg9[%scan3A_19, %dma_start3A] : memref<80x128xi32, #tpu.memory_space<vmem>> -> memref<1x128xi32, #tpu.memory_space<vmem>>
        %dma_start3A_21 = tpu.memref_squeeze %dma_start3A_20 : memref<1x128xi32, #tpu.memory_space<vmem>> -> memref<128xi32, #tpu.memory_space<vmem>>
        %dma_start3A_22 = arith.constant 0 : i32
        %dma_start3A_23 = arith.constant 0 : i32
        %dma_start3A_24 = tpu.memref_slice %arg7[%dma_start3A_22, %dma_start3A_23] : memref<10008x128xf32, #tpu.memory_space<vmem_shared>> -> memref<10008x128xf32, #tpu.memory_space<vmem_shared>>
        tpu.enqueue_indirect_dma source(%arg10 : memref<128x128xf32, #tpu.memory_space<vmem>>) target(%dma_start3A_24 : memref<10008x128xf32, #tpu.memory_space<vmem_shared>>) offsets(%dma_start3A_21 : memref<128xi32, #tpu.memory_space<vmem>>) semaphore(%run_scoped3A : memref<!tpu.dma_semaphore, #tpu.memory_space<semaphore_mem>>) {add = true}
        %dma_wait3A = arith.constant 0 : i32
        %dma_wait3A_25 = tpu.memref_slice %arg9[%scan3A_19, %dma_wait3A] : memref<80x128xi32, #tpu.memory_space<vmem>> -> memref<1x128xi32, #tpu.memory_space<vmem>>
        %dma_wait3A_26 = tpu.memref_squeeze %dma_wait3A_25 : memref<1x128xi32, #tpu.memory_space<vmem>> -> memref<128xi32, #tpu.memory_space<vmem>>
        %dma_wait3A_27 = arith.constant 0 : i32
        %dma_wait3A_28 = arith.constant 0 : i32
        %dma_wait3A_29 = tpu.memref_slice %arg7[%dma_wait3A_27, %dma_wait3A_28] : memref<10008x128xf32, #tpu.memory_space<vmem_shared>> -> memref<10008x128xf32, #tpu.memory_space<vmem_shared>>
        tpu.wait_indirect_dma semaphore(%run_scoped3A : memref<!tpu.dma_semaphore, #tpu.memory_space<semaphore_mem>>) src(%arg10 : memref<128x128xf32, #tpu.memory_space<vmem>>) dst(%dma_wait3A_29 : memref<10008x128xf32, #tpu.memory_space<vmem_shared>>)
        tpu.yield
      }) : () -> ()
    }
    %scan3A_12 = arith.constant 80 : i32
    %barrier3A_13 = arith.constant 0 : index
    tpu.barrier barrier_id(%barrier3A_13)
    %lt3A_14 = arith.constant 10 : i32
    %lt3A_15 = arith.cmpi slt, %arg1, %lt3A_14 : i32
    %convert_element_type3A_16 = arith.extui %lt3A_15 : i1 to i32
    %cond3A_17 = arith.constant 0 : i32
    %cond3A_18 = arith.cmpi ne, %convert_element_type3A_16, %cond3A_17 : i32
    scf.if %cond3A_18 {
      %mul3A = arith.constant 1000 : i32
      %mul3A_19 = arith.muli %arg1, %mul3A : i32
      %mul3A_20 = arith.constant 1000 : i32
      %mul3A_21 = arith.muli %arg1, %mul3A_20 : i32
      "tpu.region"() ({
        %run_scoped3A = tpu.sem_alloc : memref<!tpu.dma_semaphore, #tpu.memory_space<semaphore_mem>>
        %dma_start3A = arith.constant 0 : i32
        %dma_start3A_22 = tpu.memref_slice %arg6[%arg0, %mul3A_21, %dma_start3A] : memref<2x10000x128xf32, #tpu.memory_space<hbm>> -> memref<1x1000x128xf32, #tpu.memory_space<hbm>>
        %dma_start3A_23 = tpu.memref_squeeze %dma_start3A_22 : memref<1x1000x128xf32, #tpu.memory_space<hbm>> -> memref<1000x128xf32, #tpu.memory_space<hbm>>
        %dma_start3A_24 = arith.constant 0 : i32
        %dma_start3A_25 = tpu.memref_slice %arg7[%mul3A_19, %dma_start3A_24] : memref<10008x128xf32, #tpu.memory_space<vmem_shared>> -> memref<1000x128xf32, #tpu.memory_space<vmem_shared>>
        tpu.enqueue_dma source(%dma_start3A_25 : memref<1000x128xf32, #tpu.memory_space<vmem_shared>>) target(%dma_start3A_23 : memref<1000x128xf32, #tpu.memory_space<hbm>>) target_semaphore(%run_scoped3A : memref<!tpu.dma_semaphore, #tpu.memory_space<semaphore_mem>>)
        %dma_wait3A = arith.constant 0 : i32
        %dma_wait3A_26 = tpu.memref_slice %arg6[%arg0, %mul3A_21, %dma_wait3A] : memref<2x10000x128xf32, #tpu.memory_space<hbm>> -> memref<1x1000x128xf32, #tpu.memory_space<hbm>>
        %dma_wait3A_27 = tpu.memref_squeeze %dma_wait3A_26 : memref<1x1000x128xf32, #tpu.memory_space<hbm>> -> memref<1000x128xf32, #tpu.memory_space<hbm>>
        %dma_wait3A_28 = arith.constant 0 : i32
        %dma_wait3A_29 = tpu.memref_slice %arg7[%mul3A_19, %dma_wait3A_28] : memref<10008x128xf32, #tpu.memory_space<vmem_shared>> -> memref<1000x128xf32, #tpu.memory_space<vmem_shared>>
        tpu.wait_dma2 semaphore(%run_scoped3A : memref<!tpu.dma_semaphore, #tpu.memory_space<semaphore_mem>>) src(%dma_wait3A_29 : memref<1000x128xf32, #tpu.memory_space<vmem_shared>>) dst(%dma_wait3A_27 : memref<1000x128xf32, #tpu.memory_space<hbm>>)
        tpu.yield
      }) : () -> ()
    } else {
    }
    return
  }
}

module attributes {stable_mosaic.version = 14 : i64} {
  func.func @_prep_body(%arg0: i32, %arg1: memref<2x1000x128xf32, #tpu.memory_space<vmem>>, %arg2: memref<1000x256xf32, #tpu.memory_space<vmem>>, %arg3: memref<1000x256xf32, #tpu.memory_space<vmem>>, %arg4: memref<1000x128xf32, #tpu.memory_space<vmem>>) attributes {dimension_semantics = [#tpu.dimension_semantics<arbitrary>], iteration_bounds = array<i64: 10>, scalar_prefetch = 0 : i64, scratch_operands = 0 : i64, tpu.core_type = #tpu.core_type<tc>, window_params = [{transform_indices = @transform_0, window_bounds = array<i64: 2, 1000, 128>}, {transform_indices = @transform_1, window_bounds = array<i64: 1000, 256>}, {transform_indices = @transform_2, window_bounds = array<i64: 1000, 256>}, {transform_indices = @transform_3, window_bounds = array<i64: 1000, 128>}]} {
    %get3A = arith.constant 0 : index
    %get3A_0 = arith.constant 0 : index
    %get3A_1 = arith.constant 0 : index
    %get3A_2 = vector.load %arg1[%get3A, %get3A_0, %get3A_1] : memref<2x1000x128xf32, #tpu.memory_space<vmem>>, vector<1x1000x1xf32>
    %get3A_3 = vector.shape_cast %get3A_2 : vector<1x1000x1xf32> to vector<1000x1xf32>
    %get3A_4 = arith.constant 1 : index
    %get3A_5 = arith.constant 0 : index
    %get3A_6 = arith.constant 0 : index
    %get3A_7 = vector.load %arg1[%get3A_4, %get3A_5, %get3A_6] : memref<2x1000x128xf32, #tpu.memory_space<vmem>>, vector<1x1000x1xf32>
    %get3A_8 = vector.shape_cast %get3A_7 : vector<1x1000x1xf32> to vector<1000x1xf32>
    %add3A = arith.addf %get3A_3, %get3A_8 : vector<1000x1xf32>
    %add3A_9 = arith.constant 1.000000e+00 : f32
    %add3A_10 = vector.broadcast %add3A_9 : f32 to vector<1000x1xf32>
    %add3A_11 = arith.addf %add3A, %add3A_10 : vector<1000x1xf32>
    %rsqrt3A = math.rsqrt %add3A_11 : vector<1000x1xf32>
    %get3A_12 = arith.constant 0 : index
    %get3A_13 = arith.constant 0 : index
    %get3A_14 = vector.load %arg2[%get3A_12, %get3A_13] : memref<1000x256xf32, #tpu.memory_space<vmem>>, vector<1000x256xf32>
    %mul3A = vector.broadcast %rsqrt3A : vector<1000x1xf32> to vector<1000x256xf32>
    %mul3A_15 = arith.mulf %mul3A, %get3A_14 : vector<1000x256xf32>
    %swap3A = arith.constant 0 : index
    %swap3A_16 = arith.constant 0 : index
    %swap3A_17 = vector.load %arg3[%swap3A, %swap3A_16] : memref<1000x256xf32, #tpu.memory_space<vmem>>, vector<1000x256xf32>
    tpu.vector_store %arg3[%swap3A, %swap3A_16], %mul3A_15 {strides = array<i32>} : memref<1000x256xf32, #tpu.memory_space<vmem>>, vector<1000x256xf32>,
    %broadcast_in_dim3A = vector.shape_cast %rsqrt3A : vector<1000x1xf32> to vector<1000x1xf32>
    %broadcast_in_dim3A_18 = vector.broadcast %broadcast_in_dim3A : vector<1000x1xf32> to vector<1000x128xf32>
    %swap3A_19 = arith.constant 0 : index
    %swap3A_20 = arith.constant 0 : index
    %swap3A_21 = vector.load %arg4[%swap3A_19, %swap3A_20] : memref<1000x128xf32, #tpu.memory_space<vmem>>, vector<1000x128xf32>
    tpu.vector_store %arg4[%swap3A_19, %swap3A_20], %broadcast_in_dim3A_18 {strides = array<i32>} : memref<1000x128xf32, #tpu.memory_space<vmem>>, vector<1000x128xf32>,
    return
  }
  func.func @transform_0(%arg0: i32) -> (i32, i32, i32) {
    %c0_i32 = arith.constant 0 : i32
    %c0_i32_0 = arith.constant 0 : i32
    %c0_i32_1 = arith.constant 0 : i32
    return %c0_i32, %arg0, %c0_i32_0 : i32, i32, i32
  }
  func.func @transform_1(%arg0: i32) -> (i32, i32) {
    %c0_i32 = arith.constant 0 : i32
    %c0_i32_0 = arith.constant 0 : i32
    return %arg0, %c0_i32 : i32, i32
  }
  func.func @transform_2(%arg0: i32) -> (i32, i32) {
    %c0_i32 = arith.constant 0 : i32
    %c0_i32_0 = arith.constant 0 : i32
    return %arg0, %c0_i32 : i32, i32
  }
  func.func @transform_3(%arg0: i32) -> (i32, i32) {
    %c0_i32 = arith.constant 0 : i32
    %c0_i32_0 = arith.constant 0 : i32
    return %arg0, %c0_i32 : i32, i32
  }
}

module attributes {stable_mosaic.version = 14 : i64} {
  func.func @_layer_body(%arg0: i32, %arg1: memref<1000x128xf32, #tpu.memory_space<vmem>>, %arg2: memref<2x1000x128xf32, #tpu.memory_space<vmem>>, %arg3: memref<1000x256xf32, #tpu.memory_space<vmem>>, %arg4: memref<1000x256xf32, #tpu.memory_space<vmem>>, %arg5: memref<256x256xf32, #tpu.memory_space<vmem>>, %arg6: memref<1000x256xf32, #tpu.memory_space<vmem>>, %arg7: memref<1000x256xf32, #tpu.memory_space<vmem>>) attributes {dimension_semantics = [#tpu.dimension_semantics<arbitrary>], iteration_bounds = array<i64: 10>, scalar_prefetch = 0 : i64, scratch_operands = 0 : i64, tpu.core_type = #tpu.core_type<tc>, window_params = [{transform_indices = @transform_0, window_bounds = array<i64: 1000, 128>}, {transform_indices = @transform_1, window_bounds = array<i64: 2, 1000, 128>}, {transform_indices = @transform_2, window_bounds = array<i64: 1000, 256>}, {transform_indices = @transform_3, window_bounds = array<i64: 1000, 256>}, {pipeline_mode = #tpu.pipeline_mode<synchronous>, transform_indices = @transform_4, window_bounds = array<i64: 256, 256>}, {transform_indices = @transform_5, window_bounds = array<i64: 1000, 256>}, {transform_indices = @transform_6, window_bounds = array<i64: 1000, 256>}]} {
    %get3A = arith.constant 0 : index
    %get3A_0 = arith.constant 0 : index
    %get3A_1 = vector.load %arg1[%get3A, %get3A_0] : memref<1000x128xf32, #tpu.memory_space<vmem>>, vector<1000x1xf32>
    %get3A_2 = arith.constant 0 : index
    %get3A_3 = arith.constant 0 : index
    %get3A_4 = arith.constant 0 : index
    %get3A_5 = vector.load %arg2[%get3A_2, %get3A_3, %get3A_4] : memref<2x1000x128xf32, #tpu.memory_space<vmem>>, vector<1x1000x128xf32>
    %get3A_6 = vector.shape_cast %get3A_5 : vector<1x1000x128xf32> to vector<1000x128xf32>
    %get3A_7 = arith.constant 1 : index
    %get3A_8 = arith.constant 0 : index
    %get3A_9 = arith.constant 0 : index
    %get3A_10 = vector.load %arg2[%get3A_7, %get3A_8, %get3A_9] : memref<2x1000x128xf32, #tpu.memory_space<vmem>>, vector<1x1000x128xf32>
    %get3A_11 = vector.shape_cast %get3A_10 : vector<1x1000x128xf32> to vector<1000x128xf32>
    %concatenate3A = tpu.concatenate %get3A_6, %get3A_11 in 1 : vector<1000x128xf32>, vector<1000x128xf32> -> vector<1000x256xf32>
    %get3A_12 = arith.constant 0 : index
    %get3A_13 = arith.constant 0 : index
    %get3A_14 = vector.load %arg3[%get3A_12, %get3A_13] : memref<1000x256xf32, #tpu.memory_space<vmem>>, vector<1000x256xf32>
    %add3A = arith.addf %concatenate3A, %get3A_14 : vector<1000x256xf32>
    %mul3A = vector.broadcast %get3A_1 : vector<1000x1xf32> to vector<1000x256xf32>
    %mul3A_15 = arith.mulf %mul3A, %add3A : vector<1000x256xf32>
    %get3A_16 = arith.constant 0 : index
    %get3A_17 = arith.constant 0 : index
    %get3A_18 = vector.load %arg5[%get3A_16, %get3A_17] : memref<256x256xf32, #tpu.memory_space<vmem>>, vector<256x256xf32>
    %dot_general3A = arith.constant dense<0.000000e+00> : vector<1000x256xf32>
    %dot_general3A_19 = tpu.matmul %mul3A_15, %get3A_18, %dot_general3A {dimension_numbers = #tpu.dot_dimension_numbers<[1], [1], [0], [0], [0, 0, 1, 0], [], []>, transpose_lhs_hint = false} : vector<1000x256xf32>, vector<256x256xf32>, vector<1000x256xf32> -> vector<1000x256xf32>
    %max3A = arith.constant 0.000000e+00 : f32
    %max3A_20 = vector.broadcast %max3A : f32 to vector<1000x256xf32>
    %max3A_21 = arith.maximumf %dot_general3A_19, %max3A_20 : vector<1000x256xf32>
    %get3A_22 = arith.constant 0 : index
    %get3A_23 = arith.constant 0 : index
    %get3A_24 = vector.load %arg4[%get3A_22, %get3A_23] : memref<1000x256xf32, #tpu.memory_space<vmem>>, vector<1000x256xf32>
    %add3A_25 = arith.addf %max3A_21, %get3A_24 : vector<1000x256xf32>
    %swap3A = arith.constant 0 : index
    %swap3A_26 = arith.constant 0 : index
    %swap3A_27 = vector.load %arg6[%swap3A, %swap3A_26] : memref<1000x256xf32, #tpu.memory_space<vmem>>, vector<1000x256xf32>
    tpu.vector_store %arg6[%swap3A, %swap3A_26], %add3A_25 {strides = array<i32>} : memref<1000x256xf32, #tpu.memory_space<vmem>>, vector<1000x256xf32>,
    %mul3A_28 = vector.broadcast %get3A_1 : vector<1000x1xf32> to vector<1000x256xf32>
    %mul3A_29 = arith.mulf %mul3A_28, %add3A_25 : vector<1000x256xf32>
    %swap3A_30 = arith.constant 0 : index
    %swap3A_31 = arith.constant 0 : index
    %swap3A_32 = vector.load %arg7[%swap3A_30, %swap3A_31] : memref<1000x256xf32, #tpu.memory_space<vmem>>, vector<1000x256xf32>
    tpu.vector_store %arg7[%swap3A_30, %swap3A_31], %mul3A_29 {strides = array<i32>} : memref<1000x256xf32, #tpu.memory_space<vmem>>, vector<1000x256xf32>,
    return
  }
  func.func @transform_0(%arg0: i32) -> (i32, i32) {
    %c0_i32 = arith.constant 0 : i32
    %c0_i32_0 = arith.constant 0 : i32
    return %arg0, %c0_i32 : i32, i32
  }
  func.func @transform_1(%arg0: i32) -> (i32, i32, i32) {
    %c0_i32 = arith.constant 0 : i32
    %c0_i32_0 = arith.constant 0 : i32
    %c0_i32_1 = arith.constant 0 : i32
    return %c0_i32, %arg0, %c0_i32_0 : i32, i32, i32
  }
  func.func @transform_2(%arg0: i32) -> (i32, i32) {
    %c0_i32 = arith.constant 0 : i32
    %c0_i32_0 = arith.constant 0 : i32
    return %arg0, %c0_i32 : i32, i32
  }
  func.func @transform_3(%arg0: i32) -> (i32, i32) {
    %c0_i32 = arith.constant 0 : i32
    %c0_i32_0 = arith.constant 0 : i32
    return %arg0, %c0_i32 : i32, i32
  }
  func.func @transform_4(%arg0: i32) -> (i32, i32) {
    %c0_i32 = arith.constant 0 : i32
    %c0_i32_0 = arith.constant 0 : i32
    %c0_i32_1 = arith.constant 0 : i32
    return %c0_i32, %c0_i32_0 : i32, i32
  }
  func.func @transform_5(%arg0: i32) -> (i32, i32) {
    %c0_i32 = arith.constant 0 : i32
    %c0_i32_0 = arith.constant 0 : i32
    return %arg0, %c0_i32 : i32, i32
  }
  func.func @transform_6(%arg0: i32) -> (i32, i32) {
    %c0_i32 = arith.constant 0 : i32
    %c0_i32_0 = arith.constant 0 : i32
    return %arg0, %c0_i32 : i32, i32
  }
}

module attributes {stable_mosaic.version = 14 : i64} {
  func.func @_layer_body(%arg0: i32, %arg1: memref<1000x128xf32, #tpu.memory_space<vmem>>, %arg2: memref<2x1000x128xf32, #tpu.memory_space<vmem>>, %arg3: memref<1000x256xf32, #tpu.memory_space<vmem>>, %arg4: memref<1000x256xf32, #tpu.memory_space<vmem>>, %arg5: memref<256x256xf32, #tpu.memory_space<vmem>>, %arg6: memref<1000x256xf32, #tpu.memory_space<vmem>>) attributes {dimension_semantics = [#tpu.dimension_semantics<arbitrary>], iteration_bounds = array<i64: 10>, scalar_prefetch = 0 : i64, scratch_operands = 0 : i64, tpu.core_type = #tpu.core_type<tc>, window_params = [{transform_indices = @transform_0, window_bounds = array<i64: 1000, 128>}, {transform_indices = @transform_1, window_bounds = array<i64: 2, 1000, 128>}, {transform_indices = @transform_2, window_bounds = array<i64: 1000, 256>}, {transform_indices = @transform_3, window_bounds = array<i64: 1000, 256>}, {pipeline_mode = #tpu.pipeline_mode<synchronous>, transform_indices = @transform_4, window_bounds = array<i64: 256, 256>}, {transform_indices = @transform_5, window_bounds = array<i64: 1000, 256>}]} {
    %get3A = arith.constant 0 : index
    %get3A_0 = arith.constant 0 : index
    %get3A_1 = vector.load %arg1[%get3A, %get3A_0] : memref<1000x128xf32, #tpu.memory_space<vmem>>, vector<1000x1xf32>
    %get3A_2 = arith.constant 0 : index
    %get3A_3 = arith.constant 0 : index
    %get3A_4 = arith.constant 0 : index
    %get3A_5 = vector.load %arg2[%get3A_2, %get3A_3, %get3A_4] : memref<2x1000x128xf32, #tpu.memory_space<vmem>>, vector<1x1000x128xf32>
    %get3A_6 = vector.shape_cast %get3A_5 : vector<1x1000x128xf32> to vector<1000x128xf32>
    %get3A_7 = arith.constant 1 : index
    %get3A_8 = arith.constant 0 : index
    %get3A_9 = arith.constant 0 : index
    %get3A_10 = vector.load %arg2[%get3A_7, %get3A_8, %get3A_9] : memref<2x1000x128xf32, #tpu.memory_space<vmem>>, vector<1x1000x128xf32>
    %get3A_11 = vector.shape_cast %get3A_10 : vector<1x1000x128xf32> to vector<1000x128xf32>
    %concatenate3A = tpu.concatenate %get3A_6, %get3A_11 in 1 : vector<1000x128xf32>, vector<1000x128xf32> -> vector<1000x256xf32>
    %get3A_12 = arith.constant 0 : index
    %get3A_13 = arith.constant 0 : index
    %get3A_14 = vector.load %arg3[%get3A_12, %get3A_13] : memref<1000x256xf32, #tpu.memory_space<vmem>>, vector<1000x256xf32>
    %add3A = arith.addf %concatenate3A, %get3A_14 : vector<1000x256xf32>
    %mul3A = vector.broadcast %get3A_1 : vector<1000x1xf32> to vector<1000x256xf32>
    %mul3A_15 = arith.mulf %mul3A, %add3A : vector<1000x256xf32>
    %get3A_16 = arith.constant 0 : index
    %get3A_17 = arith.constant 0 : index
    %get3A_18 = vector.load %arg5[%get3A_16, %get3A_17] : memref<256x256xf32, #tpu.memory_space<vmem>>, vector<256x256xf32>
    %dot_general3A = arith.constant dense<0.000000e+00> : vector<1000x256xf32>
    %dot_general3A_19 = tpu.matmul %mul3A_15, %get3A_18, %dot_general3A {dimension_numbers = #tpu.dot_dimension_numbers<[1], [1], [0], [0], [0, 0, 1, 0], [], []>, transpose_lhs_hint = false} : vector<1000x256xf32>, vector<256x256xf32>, vector<1000x256xf32> -> vector<1000x256xf32>
    %get3A_20 = arith.constant 0 : index
    %get3A_21 = arith.constant 0 : index
    %get3A_22 = vector.load %arg4[%get3A_20, %get3A_21] : memref<1000x256xf32, #tpu.memory_space<vmem>>, vector<1000x256xf32>
    %add3A_23 = arith.addf %dot_general3A_19, %get3A_22 : vector<1000x256xf32>
    %swap3A = arith.constant 0 : index
    %swap3A_24 = arith.constant 0 : index
    %swap3A_25 = vector.load %arg6[%swap3A, %swap3A_24] : memref<1000x256xf32, #tpu.memory_space<vmem>>, vector<1000x256xf32>
    tpu.vector_store %arg6[%swap3A, %swap3A_24], %add3A_23 {strides = array<i32>} : memref<1000x256xf32, #tpu.memory_space<vmem>>, vector<1000x256xf32>,
    return
  }
  func.func @transform_0(%arg0: i32) -> (i32, i32) {
    %c0_i32 = arith.constant 0 : i32
    %c0_i32_0 = arith.constant 0 : i32
    return %arg0, %c0_i32 : i32, i32
  }
  func.func @transform_1(%arg0: i32) -> (i32, i32, i32) {
    %c0_i32 = arith.constant 0 : i32
    %c0_i32_0 = arith.constant 0 : i32
    %c0_i32_1 = arith.constant 0 : i32
    return %c0_i32, %arg0, %c0_i32_0 : i32, i32, i32
  }
  func.func @transform_2(%arg0: i32) -> (i32, i32) {
    %c0_i32 = arith.constant 0 : i32
    %c0_i32_0 = arith.constant 0 : i32
    return %arg0, %c0_i32 : i32, i32
  }
  func.func @transform_3(%arg0: i32) -> (i32, i32) {
    %c0_i32 = arith.constant 0 : i32
    %c0_i32_0 = arith.constant 0 : i32
    return %arg0, %c0_i32 : i32, i32
  }
  func.func @transform_4(%arg0: i32) -> (i32, i32) {
    %c0_i32 = arith.constant 0 : i32
    %c0_i32_0 = arith.constant 0 : i32
    %c0_i32_1 = arith.constant 0 : i32
    return %c0_i32, %c0_i32_0 : i32, i32
  }
  func.func @transform_5(%arg0: i32) -> (i32, i32) {
    %c0_i32 = arith.constant 0 : i32
    %c0_i32_0 = arith.constant 0 : i32
    return %arg0, %c0_i32 : i32, i32
  }
}

</mosaic_0001>

<sc_bundles>
// kernel: kernel.11.cloned.1.call-start
scs
__scs_entry_jumppad:
0x0: {  	(pc) =	sbr.rel $0x88, $3  }
0x1: {  	(tag) =	ssettag $0x0;
	lr =	simm.s32 $0x1  }
0x2: {  	[smem:$0x3F9D] =	sst lr;
	_ =	strace $0xD0000000  }
0x3: {  	_ = 	snop  }
0x4: {  	_ = 	snop  }
0x5: {  	_ = 	snop  }
0x6: {  	_ = 	snop  }
0x7: {  	_ = 	snop  }
__scs_overlays_trampoline_lowered:
0x8: {  	[smem:$0x3FAC] =	sst s0  }
0x9: {  	[smem:$0x3FAD] =	sst s1  }
0xa: {  	[smem:$0x3FAE] =	sst s2  }
0xb: {  	[smem:$0x3FAF] =	sst s3  }
0xc: {  	[smem:$0x3FB0] =	sst s4  }
0xd: {  	[smem:$0x3FB1] =	sst s5  }
0xe: {  	[smem:$0x3FB2] =	sst s6  }
0xf: {  	[smem:$0x3FB3] =	sst s7  }
0x10: {  	[smem:$0x3FB4] =	sst s8  }
0x11: {  	[smem:$0x3FB5] =	sst s9;
	s0 =	simm.s32 @!p0 $0x0  }
0x12: {  	s1 =	sld [smem:$0x3F9B];
	s0 =	simm.s32 @p0 $0x1  }
0x13: {  	[smem:$0x3FB6] =	sst s0;
	s0 =	simm.s32 @!p1 $0x0  }
0x14: {  	s2 =	sld [smem:$0x3F9A];
	s0 =	simm.s32 @p1 $0x1  }
0x15: {  	[smem:$0x3FB7] =	sst s0;
	s0 =	simm.s32 @!p2 $0x0  }
0x16: {  	s3 =	sld [smem:$0x3FDB];
	s0 =	simm.s32 @p2 $0x1  }
0x17: {  	s4 =	simm.s32 $0x1BF5;
	[smem:$0x3FB9] =	sst s0  }
0x18: {  	s0 =	sld [smem:$0x3F9C];
	_ =	swait.ge [sflag:s4], $0x0  }
0x19: {  	s7 =	sld [smem:$0x3F9D]  }
0x1a: {  	s8 =	sadd.s32 $0xFFFFE003, lr  }
0x1b: {  	s9 =	sadd.s32 $0xFFFFFEF7, lr;
	s5 =	simm.s32 $0xFFFFFFFF;
	p2 =	slt.u32 s8, $0xFFFFF086  }
0x1c: {  	p1 =	slt.u32 s9, $0xF7A;
	s5 =	simm.s32 @!p2 $0x0  }
0x1d: {  	s5 =	simm.s32 @p1 $0x1;
	p0 =	seq.s32 s7, s2  }
0x1e: {  	s7 =	smul.u32 @!p0 $0xF7A, s2;
	p2 =	seq.s32 @!p0 s5, $0x0  }
0x1f: {  	s9 =	smul.u32 $0xF7A, s1;
	s8 =	simm.s32 @!p0 $0x1BF5;
	p2 =	por !p2, p0  }
0x20: {  	[sflag:s8] =	ssyncset.s32 @!p0 $0xFFFFF086;
	s6 =	sadd.s32 @!p0 s3, s7;
	s7 =	simm.s32 @!p0 $0x108  }
0x21: {  	s3 =	sadd.s32 s3, s9;
	s6 =	sadd.s32 @!p0 $0x88, s6;
	s7 =	simm.s32 @p2 $0x1082  }
0x22: {  	[simem:s7], [sflag:s8] =	dma.local @!p0 [hbm:s6], $0xF7A  }
0x23: {  	s9 =	sor.u32 $0xD0000000, s2;
	s6 =	simm.s32 $0x108;
	_ =	swait.ge @!p0 [sflag:s8], $0x0  }
0x24: {  	s3 =	sadd.s32 $0x88, s3;
	s6 =	simm.s32 @!p1 $0x1082;
	[sflag:s4] =	ssyncset.s32 $0xFFFFF086  }
0x25: {  	[simem:s6], [sflag:s4] =	dma.local [hbm:s3], $0xF7A  }
0x26: {  	[smem:$0x3F9D] =	sst s1;
	(tag) =	ssettag s2;
	_ =	strace s9  }
0x27: {  	s1 =	sld [smem:$0x3FAD]  }
0x28: {  	s2 =	sld [smem:$0x3FAE]  }
0x29: {  	s4 =	sld [smem:$0x3FB0]  }
0x2a: {  	p0 =	seq.s32 s5, $0x0;
	s5 =	sld [smem:$0x3FB1]  }
0x2b: {  	s6 =	sld [smem:$0x3FB2]  }
0x2c: {  	s7 =	sld [smem:$0x3FB3]  }
0x2d: {  	s3 =	simm.s32 $0x108;
	s8 =	sld [smem:$0x3FB4]  }
0x2e: {  	s3 =	simm.s32 @!p0 $0x1082;
	s9 =	sld [smem:$0x3FB5]  }
0x2f: {  	lr =	sadd.s32 s0, s3;
	s0 =	sld [smem:$0x3FAC]  }
0x30: {  	s3 =	sld [smem:$0x3FAF]  }
0x31: {  	[smem:$0x3FB8] =	sst s10  }
0x32: {  	s10 =	sld [smem:$0x3FB6];
	_ =	sdelay $0x3  }
0x33: {  	p0 =	seq.s32 s10, $0x1;
	s10 =	sld [smem:$0x3FB8];
	_ =	sdelay $0x3  }
0x34: {  	[smem:$0x3FB8] =	sst s10  }
0x35: {  	s10 =	sld [smem:$0x3FB7];
	_ =	sdelay $0x3  }
0x36: {  	p1 =	seq.s32 s10, $0x1;
	s10 =	sld [smem:$0x3FB8];
	_ =	sdelay $0x3  }
0x37: {  	[smem:$0x3FB8] =	sst s10  }
0x38: {  	s10 =	sld [smem:$0x3FB9]  }
0x39: {  	_ = 	snop;
	(pc) =	sbr.ind lr, $3  }
0x3a: {  	_ = 	snop  }
0x3b: {  	_ = 	snop  }
0x3c: {  	p2 =	seq.s32 s10, $0x1;
	s10 =	sld [smem:$0x3FB8]  }
0x3d: {  	_ =	shalt  }
0x3e: {  	_ =	shalt  }
0x3f: {  	_ =	shalt  }
0x40: {  	_ =	shalt  }
0x41: {  	_ =	shalt  }
0x42: {  	_ =	shalt  }
0x43: {  	_ =	shalt  }
0x44: {  	_ =	shalt  }
0x45: {  	_ =	shalt  }
0x46: {  	_ =	shalt  }
0x47: {  	_ =	shalt  }
0x48: {  	_ =	shalt  }
0x49: {  	_ =	shalt  }
0x4a: {  	_ =	shalt  }
0x4b: {  	_ =	shalt  }
0x4c: {  	_ =	shalt  }
0x4d: {  	_ =	shalt  }
0x4e: {  	_ =	shalt  }
0x4f: {  	_ =	shalt  }
0x50: {  	_ =	shalt  }
0x51: {  	_ =	shalt  }
0x52: {  	_ =	shalt  }
0x53: {  	_ =	shalt  }
0x54: {  	_ =	shalt  }
0x55: {  	_ =	shalt  }
0x56: {  	_ =	shalt  }
0x57: {  	_ =	shalt  }
0x58: {  	_ =	shalt  }
0x59: {  	_ =	shalt  }
0x5a: {  	_ =	shalt  }
0x5b: {  	_ =	shalt  }
0x5c: {  	_ =	shalt  }
0x5d: {  	_ =	shalt  }
0x5e: {  	_ =	shalt  }
0x5f: {  	_ =	shalt  }
0x60: {  	_ =	shalt  }
0x61: {  	_ =	shalt  }
0x62: {  	_ =	shalt  }
0x63: {  	_ =	shalt  }
0x64: {  	_ =	shalt  }
0x65: {  	_ =	shalt  }
0x66: {  	_ =	shalt  }
0x67: {  	_ =	shalt  }
0x68: {  	_ =	shalt  }
0x69: {  	_ =	shalt  }
0x6a: {  	_ =	shalt  }
0x6b: {  	_ =	shalt  }
0x6c: {  	_ =	shalt  }
0x6d: {  	_ =	shalt  }
0x6e: {  	_ =	shalt  }
0x6f: {  	_ =	shalt  }
0x70: {  	_ =	shalt  }
0x71: {  	_ =	shalt  }
0x72: {  	_ =	shalt  }
0x73: {  	_ =	shalt  }
0x74: {  	_ =	shalt  }
0x75: {  	_ =	shalt  }
0x76: {  	_ =	shalt  }
0x77: {  	_ =	shalt  }
0x78: {  	_ =	shalt  }
0x79: {  	_ =	shalt  }
0x7a: {  	_ =	shalt  }
0x7b: {  	_ =	shalt  }
0x7c: {  	_ =	shalt  }
0x7d: {  	_ =	shalt  }
0x7e: {  	_ =	shalt  }
0x7f: {  	_ =	shalt  }
0x80: {  	_ =	shalt  }
0x81: {  	_ =	shalt  }
0x82: {  	_ =	shalt  }
0x83: {  	_ =	shalt  }
0x84: {  	_ =	shalt  }
0x85: {  	_ =	shalt  }
0x86: {  	_ =	shalt  }
0x87: {  	_ =	shalt  }
.Lfunc_end0:
.L_simem_size_0:
called_computation.1_lowered:
.L_overlay_start_0:
0x88: {  	s2 =	sld [smem:$0x3FD9]  }
0x89: {  	s3 =	sld [smem:$0x3FFE];
	_ =	sdelay $0x1  }
0x8a: {  	s1 =	srdreg.scid  }
0x8b: {  	s0 =	sand.u32 $0x1, s1  }
0x8c: {  	s17 =	sshll.u32 s0, $0xA;
	s2 =	sadd.s32 s3, s2  }
0x8d: {  	s2 =	sadd.s32 s2, s17  }
0x8e: {  	[smem:$0x3FC4] =	sst s2  }
0x8f: {  	_ = 	snop  }
0x90: {  	s2 =	sld [smem:$0x3FD0];
	(tm) =	ssettm $0x1  }
0x91: {  	s18 =	sld [smem:$0x3FFB];
	_ =	sdelay $0x3  }
0x92: {  	_ =	strace s18  }
0x93: {  	s3 =	sld [smem:$0x3FFC];
	_ =	sdelay $0x3  }
0x94: {  	_ =	strace s3  }
0x95: {  	s3 =	sld [smem:$0x3FFD];
	_ =	sdelay $0x3  }
0x96: {  	_ =	strace s3  }
0x97: {  	_ =	strace $0x8FFFFFFF  }
0x98: {  	s19 =	sld [smem:$0x3FDB];
	_ =	sdelay $0x1  }
0x99: {  	s4 =	simm.s32 $_scs_section_size  }
0x9a: {  	s5 =	simm.s32 $_size__tile_overlayer_lowered;
	s6 =	simm.s32 $_tile_overlayer_lowered  }
0x9b: {  	s22 =	simm.s32 $0x1BFF;
	s21 =	sshll.u32 s6, $0x1;
	s3 =	sadd.s32 s4, s19  }
0x9c: {  	s7 =	simm.s32 $0x0;
	s20 =	sshll.u32 s5, $0x1;
	s5 =	sadd.s32 s21, s3  }
0x9d: {  	[timem:s7], [sflag:s22] =	dma.local [hbm:s5], s20  }
0x9e: {  	_ =	swait.ge [sflag:s22], s20  }
0x9f: {  	s4 =	ssub.s32 $0x0, s20;
	[sflag:s22] =	ssyncset.done $0x0  }
0xa0: {  	[sflag:s22] =	ssyncadd.s32 s4;
	_ =	sdelay $0x1  }
0xa1: {  	s23 =	simm.s32 $0x1B8B  }
0xa2: {  	_ =	swait.ge [sflag:s23], $0x1  }
0xa3: {  	[sflag:s23] =	ssyncset.done $0x0  }
0xa4: {  	s25 =	simm.s32 $0x1B8E;
	s24 =	sld [smem:$0x3FFE];
	[sflag:s23] =	ssyncadd.s32 $0xFFFFFFFF  }
0xa5: {  	s26 =	simm.s32 $execute0_lowered;
	[smem:$0x3FD2] =	sst s25  }
0xa6: {  	s5 =	sshll.u32 s26, $0x1;
	_ =	strace $0x80000049;
	[dreg:$0x1] =	wrdreg $0xFFFFFFFF  }
0xa7: {  	s28 =	simm.s32 $_size_execute0_lowered;
	s3 =	sadd.s32 s3, s5;
	[dreg:$0x0] =	wrdreg $0x0  }
0xa8: {  	s5 =	sshll.u32 s28, $0x1;
	[dreg:$0x2] =	wrdreg s3  }
0xa9: {  	[dreg:$0x3] =	wrdreg s5  }
0xaa: {  	[dreg:$0x4] =	wrdreg $0xC0  }
0xab: {  	_ =	task [dreg:s7], $0x5FFFF  }
0xac: {  	[dreg:$0x1] =	wrdreg $0xFFFFFFFF  }
0xad: {  	[dreg:$0x0] =	wrdreg $0x60  }
0xae: {  	[dreg:$0x2] =	wrdreg s2  }
0xaf: {  	[dreg:$0x3] =	wrdreg s24  }
0xb0: {  	[dreg:$0x4] =	wrdreg $0x0  }
0xb1: {  	[dreg:$0x5] =	wrdreg $0x9  }
0xb2: {  	_ =	task.clear_ibuf [dreg:s7], $0x6FFFF;
	_ =	strace $0x90000049  }
0xb3: {  	s29 =	simm.s32 $0x9;
	_ =	strace $0x8000004B  }
0xb4: {  	_ =	swait.ge [sflag:s29], $0x1  }
0xb5: {  	[sflag:s29] =	ssyncadd.s32 $0xFFFFFFFF  }
0xb6: {  	_ =	strace $0x9000004B  }
0xb7: {  	_ =	sfence  }
0xb8: {  	s30 =	sld [smem:$0x0];
	_ =	sdelay $0x2  }
0xb9: {  	s31 =	sshll.u32 s1, $0xD;
	s1 =	sshrl.u32 s1, $0x2  }
0xba: {  	s3 =	sand.u32 $0x4000, s31;
	s1 =	sadd.s32 s1, s30  }
0xbb: {  	s0 =	sor.u32 s3, s0;
	s1 =	sshll.u32 s1, $0x11  }
0xbc: {  	s0 =	sor.u32 s1, s0  }
0xbd: {  	s0 =	sadd.s32 $0x8F2B, s0  }
0xbe: {  	[sflag:s0] =	ssyncadd.remote.s32 $0x1  }
0xbf: {  	_ =	sfence.sel $0xFFFF  }
0xc0: {  	[dreg:$0x0] =	wrdreg $0xFFFFFFFF;
	(pc) =	sbr.abs _section_cstart, $3  }
0xc1: {  	[dreg:$0x1] =	wrdreg $0xFFFFFFFF  }
0xc2: {  	_ =	task.clear_ibuf [dreg:s7], $0x2FFFF;
	_ =	strace $0x9FFFFFFF  }
0xc3: {  	(tm) =	ssettm $0x7FFFFFFF  }
tec
execute0_lowered:
.L_overlay_start_1:
0x0: {  	(tag) =	ssettag $0x1  }
0x1: {  	s1 =	rddreg [dreg:$0x0]  }
0x2: {  	s6 =	rddreg [dreg:$0x1]  }
0x3: {  	s0 =	stileid.u32;
	s2 =	srdreg.scid  }
0x4: {  	s3 =	rddreg [dreg:$0x2];
	s4 =	simm.s32 $0x0;
	s5 =	smul.u32 $0x580, s0  }
0x5: {  	s16 =	simm.s32 $0x18CC0;
	s17 =	simm.s32 $0x0;
	s7 =	smul.u32 $0x500, s0  }
0x6: {  	s15 =	sand.u32 $0x1, s2;
	s2 =	rddreg [dreg:$0x3];
	s9 =	smul.u32 $0x1F400, s0  }
0x7: {  	[smem:$0x7FF] =	sst s4;
	s11 =	smul.u32 $0x7D000, s0;
	p0 =	sgt.u32 s0, $0x9  }
0x8: {  	s8 =	smul.u32 $0x138800, s15;
	_ =	strace $0x8000004A;
	s31 =	ssub.s32 $0x2, s15  }
0x9: {  	s13 =	sshll.u32 @!p0 s0, $0x6;
	v0 =	vmov s15;
	s15 =	simm.s32 $0x80;
	s10 =	sadd.s32 s5, s6  }
0xa: {  	s7 =	sadd.s32 s7, s6;
	s5 =	sadd.s32 $0x6A00, s6;
	s12 =	sshrl.u32 s31, $0x1  }
0xb: {  	s11 =	sshrl.u32 s11, $0x2;
	s13 =	sor.u32 @!p0 $0x1C01, s13;
	s8 =	sadd.s32 s9, s8  }
0xc: {  	s9 =	ssub.s32 s31, s12;
	s7 =	sadd.s32 $0x1200, s7;
	s14 =	sadd.s32 s11, s3  }
0xd: {  	s11 =	simm.s32 $0x1;
	s12 =	simm.s32 $0x164C0;
	s8 =	sshrl.u32 s8, $0x3  }
0xe: {  	s9 =	smax.u32 s9, $0x1;
	s14 =	sshrl.u32 @!p0 s14, $0x3;
	s8 =	sadd.s32 s8, s6  }
0xf: {  	s6 =	sadd.s32 $0xAA00, s10;
	s10 =	simm.s32 $0x138C0;
	s8 =	sadd.s32 $0x5E400, s8  }
.LBB2_1:
0x10: {  	[tilespmem:s10], [sflag:$0x1] =	stream.linear.gather [hbm4b:s6+s4], $0x2880, $0x38;
	[tilespmem:$0x1CCC0] =	vst v63  }
0x11: {  	_ =	swait.ge [sflag:s11], $0x2880  }
0x12: {  	[sflag:s11] =	ssyncset.done $0x0  }
0x13: {  	[sflag:s11] =	ssyncadd.s32 $0xFFFFD780  }
0x14: {  	[tilespmem:s12], [sflag:$0x1] =	stream.linear.gather [hbm4b:s7+s4], $0x2800, $0x38;
	[tilespmem:$0x1CCC0] =	vst v63  }
0x15: {  	_ =	swait.ge [sflag:s11], $0x2800  }
0x16: {  	[sflag:s11] =	ssyncset.done $0x0  }
0x17: {  	s18 =	simm.s32 @!p0 $0x1;
	[sflag:s11] =	ssyncadd.s32 $0xFFFFD800  }
0x18: {  	[spmem:s14], [sflag:s13] =	dma.local @!p0 [hbm:s5], $0x3E80  }
0x19: {  	_ =	swait.ge @!p0 [sflag:s18], $0x3E80  }
0x1a: {  	[sflag:s18] =	ssyncset.done @!p0 $0x0  }
0x1b: {  	[sflag:s18] =	ssyncadd.s32 @!p0 $0xFFFFC180;
	s18 =	simm.s32 $0x0  }
0x1c: {  	v2 =	vld [tilespmem:s18+$0x138C0]  }
0x1d: {  	v3 =	vld [tilespmem:s18+$0x138D0]  }
0x1e: {  	v5 =	vld [tilespmem:s18+$0x138E0]  }
0x1f: {  	v4 =	vld [tilespmem:s18+$0x138F0]  }
0x20: {  	v1 =	vld [tilespmem:s18+$0x13900]  }
0x21: {  	v6 =	vshll.u32 v2, $0x1;
	v2 =	vld [tilespmem:s18+$0x13910]  }
0x22: {  	s19 =	simm.s32 $0x200;
	v7 =	vshll.u32 v3, $0x1;
	v3 =	vld [tilespmem:s18+$0x13920];
	v6 =	vor.u32 v0, v6  }
.LBB2_2:
0x23: {  	s20 =	sshra.s32 s19, $0x2;
	p1 =	sne.s32 s19, $0xA000;
	[tilespmem:s18+$0x138C0] =	vst v6;
	v6 =	vor.u32 v0, v7;
	v5 =	vshll.u32 v5, $0x1;
	v7 =	vld [tilespmem:s18+$0x13930]  }
0x24: {  	v8 =	vld [tilespmem:s20+$0x138C0];
	[tilespmem:s18+$0x138D0] =	vst v6;
	v5 =	vor.u32 v0, v5;
	v4 =	vshll.u32 v4, $0x1  }
0x25: {  	v9 =	vld [tilespmem:s20+$0x138D0];
	[tilespmem:s18+$0x138E0] =	vst v5;
	v4 =	vor.u32 v0, v4;
	v1 =	vshll.u32 v1, $0x1  }
.Ltmp0:
0x26: {  	v5 =	vld [tilespmem:s20+$0x138E0];
	[tilespmem:s18+$0x138F0] =	vst v4;
	v1 =	vor.u32 v0, v1;
	v2 =	vshll.u32 v2, $0x1;
	(pc) =	sbr.rel @p1 .LBB2_2-.Ltmp0, $4  }
0x27: {  	v4 =	vld [tilespmem:s20+$0x138F0];
	[tilespmem:s18+$0x13900] =	vst v1;
	v2 =	vor.u32 v0, v2;
	v3 =	vshll.u32 v3, $0x1  }
0x28: {  	v1 =	vld [tilespmem:s20+$0x13900];
	[tilespmem:s18+$0x13910] =	vst v2;
	v3 =	vor.u32 v0, v3;
	v6 =	vshll.u32 v7, $0x1  }
0x29: {  	v7 =	vshll.u32 v8, $0x1;
	v2 =	vld [tilespmem:s20+$0x13910];
	[tilespmem:s18+$0x13920] =	vst v3;
	v8 =	vor.u32 v0, v6  }
0x2a: {  	s19 =	sadd.s32 $0x200, s19;
	v6 =	vor.u32 v0, v7;
	v7 =	vshll.u32 v9, $0x1;
	v3 =	vld [tilespmem:s20+$0x13920];
	[tilespmem:s18+$0x13930] =	vst v8;
	s18 =	smov.u32 s20  }
0x2b: {  	[tilespmem:s18+$0x138C0] =	vst v6;
	v62 =	vor.u32 v0, v7;
	v5 =	vshll.u32 v5, $0x1;
	v63 =	vld [tilespmem:s18+$0x13930]  }
0x2c: {  	[tilespmem:s18+$0x138D0] =	vst v62;
	v5 =	vor.u32 v0, v5;
	v4 =	vshll.u32 v4, $0x1  }
0x2d: {  	[tilespmem:s18+$0x138E0] =	vst v5;
	v4 =	vor.u32 v0, v4;
	v1 =	vshll.u32 v1, $0x1  }
0x2e: {  	[tilespmem:s18+$0x138F0] =	vst v4;
	v1 =	vor.u32 v0, v1;
	v2 =	vshll.u32 v2, $0x1  }
0x2f: {  	[tilespmem:s18+$0x13900] =	vst v1;
	v1 =	vor.u32 v0, v2;
	v2 =	vshll.u32 v3, $0x1  }
0x30: {  	[tilespmem:s18+$0x13910] =	vst v1;
	v1 =	vor.u32 v0, v2;
	v2 =	vshll.u32 v63, $0x1  }
0x31: {  	[tilespmem:s18+$0x13920] =	vst v1;
	v1 =	vor.u32 v0, v2  }
0x32: {  	[tilespmem:s18+$0x13930] =	vst v1  }
0x33: {  	s30 =	simm.s32 $0x138C0;
	[bflag:$0x0] =	sbarrier.arrive $0xFFFF  }
0x34: {  	[tilespmem:s16], [sflag:$0x1] =	stream.indirect.gather [hbm4b:s1+s15], $0x80, s30, s15, $0xb8;
	[tilespmem:$0x1CCC0] =	vst v63  }
0x35: {  	_ =	swait.ge [sflag:s11], $0x4000  }
0x36: {  	[sflag:s11] =	ssyncset.done $0x0  }
0x37: {  	s31 =	simm.s32 $0x164C0;
	[sflag:s11] =	ssyncadd.s32 $0xFFFFC000  }
0x38: {  	[spmem:s3] =	stream.indirect.scatter.add.f32 [tilespmem:s16], [sflag:$0x1], $0x80, s31, s15, $0xb8;
	[tilespmem:$0x1CCC0] =	vst v63  }
0x39: {  	_ =	swait.ge [sflag:s11], $0x4000  }
0x3a: {  	s19 =	simm.s32 $0x400;
	s18 =	simm.s32 $0x80;
	[sflag:s11] =	ssyncset.done $0x0  }
.LBB2_4:
0x3b: {  	s20 =	sadd.s32 $0x138C0, s18  }
0x3c: {  	[sflag:s11] =	ssyncadd.s32 $0xFFFFC000;
	s21 =	smov.u32 s19;
	s22 =	sadd.s32 $0x200, s19  }
0x3d: {  	[tilespmem:s16], [sflag:$0x1] =	stream.indirect.gather [hbm4b:s1+s15], $0x80, s20, s15, $0xb8;
	[tilespmem:$0x1CCC0] =	vst v63  }
0x3e: {  	p1 =	sne.s32 s19, $0x9E00;
	_ =	swait.ge [sflag:s11], $0x4000  }
.Ltmp1:
0x3f: {  	[sflag:s11] =	ssyncset.done $0x0;
	(pc) =	sbr.rel @p1 .LBB2_4-.Ltmp1, $4  }
0x40: {  	s18 =	sadd.s32 $0x164C0, s18;
	[sflag:s11] =	ssyncadd.s32 $0xFFFFC000  }
0x41: {  	[spmem:s3] =	stream.indirect.scatter.add.f32 [tilespmem:s16], [sflag:$0x1], $0x80, s18, s15, $0xb8;
	[tilespmem:$0x1CCC0] =	vst v63  }
0x42: {  	_ =	swait.ge [sflag:s11], $0x4000  }
0x43: {  	s19 =	smov.u32 s22;
	s18 =	sshra.s32 s21, $0x2;
	[sflag:s11] =	ssyncset.done $0x0  }
0x44: {  	s19 =	sadd.s32 $0x138C0, s18;
	[sflag:s11] =	ssyncadd.s32 $0xFFFFC000  }
0x45: {  	[tilespmem:s16], [sflag:$0x1] =	stream.indirect.gather [hbm4b:s1+s15], $0x80, s19, s15, $0xb8;
	[tilespmem:$0x1CCC0] =	vst v63  }
0x46: {  	_ =	swait.ge [sflag:s11], $0x4000  }
0x47: {  	[sflag:s11] =	ssyncset.done $0x0  }
0x48: {  	s31 =	sadd.s32 $0x164C0, s18;
	[sflag:s11] =	ssyncadd.s32 $0xFFFFC000  }
0x49: {  	[spmem:s3] =	stream.indirect.scatter.add.f32 [tilespmem:s16], [sflag:$0x1], $0x80, s31, s15, $0xb8;
	[tilespmem:$0x1CCC0] =	vst v63  }
0x4a: {  	_ =	swait.ge [sflag:s11], $0x4000  }
0x4b: {  	s17 =	sadd.s32 $0x1, s17;
	[sflag:s11] =	ssyncset.done $0x0  }
0x4c: {  	p1 =	sne.s32 s17, s9;
	[sflag:s11] =	ssyncadd.s32 $0xFFFFC000  }
.Ltmp2:
0x4d: {  	s18 =	simm.s32 @!p0 $0x1;
	[bflag:$0x0] =	sbarrier.arrive $0xFFFF;
	(pc) =	sbr.rel @p1 .LBB2_1-.Ltmp2, $4  }
0x4e: {  	[hbm:s8], [sflag:s13] =	dma.local @!p0 [spmem:s14], $0x3E80  }
0x4f: {  	_ =	swait.ge @!p0 [sflag:s18], $0x3E80  }
0x50: {  	[sflag:s18] =	ssyncset.done @!p0 $0x0  }
0x51: {  	[sflag:s18] =	ssyncadd.s32 @!p0 $0xFFFFC180  }
0x52: {  	_ =	sfence.sel $0x180000  }
0x53: {  	[bflag:$0x0] =	sbarrier.arrive $0xFFFF  }
0x54: {  	p0 =	sne.s32 s0, $0x0;
	_ =	strace $0x9000004A  }
0x55: {  	s0 =	sadd.s32 @!p0 $0x100000, s2;
	[bflag:$0x2] =	sbarrier.arrive $0xFFFF  }
0x56: {  	[sflag:s0] =	ssyncadd.tile.s32 @!p0 $0x1;
	_ =	shalt  }
.Lfunc_end2:
_tile_overlayer_lowered:
.L_overlay_start_2:
0x57: {  	(tag) =	ssettag $0x2  }
0x58: {  	s0 =	rddreg [dreg:$0x0];
	s2 =	stileid.u32  }
0x59: {  	s1 =	rddreg [dreg:$0x1];
	p0 =	sne.s32 s2, $0x0  }
0x5a: {  	s3 =	rddreg [dreg:$0x2];
	[bflag:$0x3] =	sbarrier.arrive $0xFFFF;
	s2 =	simm.s32 @!p0 $0x1C01  }
0x5b: {  	[timem:s3], [sflag:s2] =	dma.local @!p0 [hbm:s0], s1  }
0x5c: {  	s0 =	simm.s32 @!p0 $0x1  }
0x5d: {  	_ =	swait.ge @!p0 [sflag:s0], s1  }
0x5e: {  	s1 =	ssub.s32 @!p0 $0x0, s1;
	[sflag:s0] =	ssyncset.done @!p0 $0x0  }
0x5f: {  	[sflag:s0] =	ssyncadd.s32 @!p0 s1  }
0x60: {  	[bflag:$0x3] =	sbarrier.arrive $0xFFFF  }
0x61: {  	_ =	shalt  }

// kernel: kernel.14.cloned.1.call-start
scs
__scs_entry_jumppad:
0x0: {  	(pc) =	sbr.rel $0x88, $3  }
0x1: {  	(tag) =	ssettag $0x0;
	lr =	simm.s32 $0x1  }
0x2: {  	[smem:$0x3F9D] =	sst lr;
	_ =	strace $0xD0000000  }
0x3: {  	_ = 	snop  }
0x4: {  	_ = 	snop  }
0x5: {  	_ = 	snop  }
0x6: {  	_ = 	snop  }
0x7: {  	_ = 	snop  }
__scs_overlays_trampoline_lowered:
0x8: {  	[smem:$0x3FAC] =	sst s0  }
0x9: {  	[smem:$0x3FAD] =	sst s1  }
0xa: {  	[smem:$0x3FAE] =	sst s2  }
0xb: {  	[smem:$0x3FAF] =	sst s3  }
0xc: {  	[smem:$0x3FB0] =	sst s4  }
0xd: {  	[smem:$0x3FB1] =	sst s5  }
0xe: {  	[smem:$0x3FB2] =	sst s6  }
0xf: {  	[smem:$0x3FB3] =	sst s7  }
0x10: {  	[smem:$0x3FB4] =	sst s8  }
0x11: {  	[smem:$0x3FB5] =	sst s9;
	s0 =	simm.s32 @!p0 $0x0  }
0x12: {  	s1 =	sld [smem:$0x3F9B];
	s0 =	simm.s32 @p0 $0x1  }
0x13: {  	[smem:$0x3FB6] =	sst s0;
	s0 =	simm.s32 @!p1 $0x0  }
0x14: {  	s2 =	sld [smem:$0x3F9A];
	s0 =	simm.s32 @p1 $0x1  }
0x15: {  	[smem:$0x3FB7] =	sst s0;
	s0 =	simm.s32 @!p2 $0x0  }
0x16: {  	s3 =	sld [smem:$0x3FDB];
	s0 =	simm.s32 @p2 $0x1  }
0x17: {  	s4 =	simm.s32 $0x1BF5;
	[smem:$0x3FB9] =	sst s0  }
0x18: {  	s0 =	sld [smem:$0x3F9C];
	_ =	swait.ge [sflag:s4], $0x0  }
0x19: {  	s7 =	sld [smem:$0x3F9D]  }
0x1a: {  	s8 =	sadd.s32 $0xFFFFE003, lr  }
0x1b: {  	s9 =	sadd.s32 $0xFFFFFEF7, lr;
	s5 =	simm.s32 $0xFFFFFFFF;
	p2 =	slt.u32 s8, $0xFFFFF086  }
0x1c: {  	p1 =	slt.u32 s9, $0xF7A;
	s5 =	simm.s32 @!p2 $0x0  }
0x1d: {  	s5 =	simm.s32 @p1 $0x1;
	p0 =	seq.s32 s7, s2  }
0x1e: {  	s7 =	smul.u32 @!p0 $0xF7A, s2;
	p2 =	seq.s32 @!p0 s5, $0x0  }
0x1f: {  	s9 =	smul.u32 $0xF7A, s1;
	s8 =	simm.s32 @!p0 $0x1BF5;
	p2 =	por !p2, p0  }
0x20: {  	[sflag:s8] =	ssyncset.s32 @!p0 $0xFFFFF086;
	s6 =	sadd.s32 @!p0 s3, s7;
	s7 =	simm.s32 @!p0 $0x108  }
0x21: {  	s3 =	sadd.s32 s3, s9;
	s6 =	sadd.s32 @!p0 $0x88, s6;
	s7 =	simm.s32 @p2 $0x1082  }
0x22: {  	[simem:s7], [sflag:s8] =	dma.local @!p0 [hbm:s6], $0xF7A  }
0x23: {  	s9 =	sor.u32 $0xD0000000, s2;
	s6 =	simm.s32 $0x108;
	_ =	swait.ge @!p0 [sflag:s8], $0x0  }
0x24: {  	s3 =	sadd.s32 $0x88, s3;
	s6 =	simm.s32 @!p1 $0x1082;
	[sflag:s4] =	ssyncset.s32 $0xFFFFF086  }
0x25: {  	[simem:s6], [sflag:s4] =	dma.local [hbm:s3], $0xF7A  }
0x26: {  	[smem:$0x3F9D] =	sst s1;
	(tag) =	ssettag s2;
	_ =	strace s9  }
0x27: {  	s1 =	sld [smem:$0x3FAD]  }
0x28: {  	s2 =	sld [smem:$0x3FAE]  }
0x29: {  	s4 =	sld [smem:$0x3FB0]  }
0x2a: {  	p0 =	seq.s32 s5, $0x0;
	s5 =	sld [smem:$0x3FB1]  }
0x2b: {  	s6 =	sld [smem:$0x3FB2]  }
0x2c: {  	s7 =	sld [smem:$0x3FB3]  }
0x2d: {  	s3 =	simm.s32 $0x108;
	s8 =	sld [smem:$0x3FB4]  }
0x2e: {  	s3 =	simm.s32 @!p0 $0x1082;
	s9 =	sld [smem:$0x3FB5]  }
0x2f: {  	lr =	sadd.s32 s0, s3;
	s0 =	sld [smem:$0x3FAC]  }
0x30: {  	s3 =	sld [smem:$0x3FAF]  }
0x31: {  	[smem:$0x3FB8] =	sst s10  }
0x32: {  	s10 =	sld [smem:$0x3FB6];
	_ =	sdelay $0x3  }
0x33: {  	p0 =	seq.s32 s10, $0x1;
	s10 =	sld [smem:$0x3FB8];
	_ =	sdelay $0x3  }
0x34: {  	[smem:$0x3FB8] =	sst s10  }
0x35: {  	s10 =	sld [smem:$0x3FB7];
	_ =	sdelay $0x3  }
0x36: {  	p1 =	seq.s32 s10, $0x1;
	s10 =	sld [smem:$0x3FB8];
	_ =	sdelay $0x3  }
0x37: {  	[smem:$0x3FB8] =	sst s10  }
0x38: {  	s10 =	sld [smem:$0x3FB9]  }
0x39: {  	_ = 	snop;
	(pc) =	sbr.ind lr, $3  }
0x3a: {  	_ = 	snop  }
0x3b: {  	_ = 	snop  }
0x3c: {  	p2 =	seq.s32 s10, $0x1;
	s10 =	sld [smem:$0x3FB8]  }
0x3d: {  	_ =	shalt  }
0x3e: {  	_ =	shalt  }
0x3f: {  	_ =	shalt  }
0x40: {  	_ =	shalt  }
0x41: {  	_ =	shalt  }
0x42: {  	_ =	shalt  }
0x43: {  	_ =	shalt  }
0x44: {  	_ =	shalt  }
0x45: {  	_ =	shalt  }
0x46: {  	_ =	shalt  }
0x47: {  	_ =	shalt  }
0x48: {  	_ =	shalt  }
0x49: {  	_ =	shalt  }
0x4a: {  	_ =	shalt  }
0x4b: {  	_ =	shalt  }
0x4c: {  	_ =	shalt  }
0x4d: {  	_ =	shalt  }
0x4e: {  	_ =	shalt  }
0x4f: {  	_ =	shalt  }
0x50: {  	_ =	shalt  }
0x51: {  	_ =	shalt  }
0x52: {  	_ =	shalt  }
0x53: {  	_ =	shalt  }
0x54: {  	_ =	shalt  }
0x55: {  	_ =	shalt  }
0x56: {  	_ =	shalt  }
0x57: {  	_ =	shalt  }
0x58: {  	_ =	shalt  }
0x59: {  	_ =	shalt  }
0x5a: {  	_ =	shalt  }
0x5b: {  	_ =	shalt  }
0x5c: {  	_ =	shalt  }
0x5d: {  	_ =	shalt  }
0x5e: {  	_ =	shalt  }
0x5f: {  	_ =	shalt  }
0x60: {  	_ =	shalt  }
0x61: {  	_ =	shalt  }
0x62: {  	_ =	shalt  }
0x63: {  	_ =	shalt  }
0x64: {  	_ =	shalt  }
0x65: {  	_ =	shalt  }
0x66: {  	_ =	shalt  }
0x67: {  	_ =	shalt  }
0x68: {  	_ =	shalt  }
0x69: {  	_ =	shalt  }
0x6a: {  	_ =	shalt  }
0x6b: {  	_ =	shalt  }
0x6c: {  	_ =	shalt  }
0x6d: {  	_ =	shalt  }
0x6e: {  	_ =	shalt  }
0x6f: {  	_ =	shalt  }
0x70: {  	_ =	shalt  }
0x71: {  	_ =	shalt  }
0x72: {  	_ =	shalt  }
0x73: {  	_ =	shalt  }
0x74: {  	_ =	shalt  }
0x75: {  	_ =	shalt  }
0x76: {  	_ =	shalt  }
0x77: {  	_ =	shalt  }
0x78: {  	_ =	shalt  }
0x79: {  	_ =	shalt  }
0x7a: {  	_ =	shalt  }
0x7b: {  	_ =	shalt  }
0x7c: {  	_ =	shalt  }
0x7d: {  	_ =	shalt  }
0x7e: {  	_ =	shalt  }
0x7f: {  	_ =	shalt  }
0x80: {  	_ =	shalt  }
0x81: {  	_ =	shalt  }
0x82: {  	_ =	shalt  }
0x83: {  	_ =	shalt  }
0x84: {  	_ =	shalt  }
0x85: {  	_ =	shalt  }
0x86: {  	_ =	shalt  }
0x87: {  	_ =	shalt  }
.Lfunc_end0:
.L_simem_size_0:
called_computation.2_lowered:
.L_overlay_start_0:
0x88: {  	s2 =	sld [smem:$0x3FD9]  }
0x89: {  	s3 =	sld [smem:$0x3FFE];
	_ =	sdelay $0x1  }
0x8a: {  	s1 =	srdreg.scid  }
0x8b: {  	s0 =	sand.u32 $0x1, s1  }
0x8c: {  	s17 =	sshll.u32 s0, $0xA;
	s2 =	sadd.s32 s3, s2  }
0x8d: {  	s2 =	sadd.s32 s2, s17  }
0x8e: {  	[smem:$0x3FC4] =	sst s2  }
0x8f: {  	_ = 	snop  }
0x90: {  	s2 =	sld [smem:$0x3FD0];
	(tm) =	ssettm $0x1  }
0x91: {  	s18 =	sld [smem:$0x3FFB];
	_ =	sdelay $0x3  }
0x92: {  	_ =	strace s18  }
0x93: {  	s3 =	sld [smem:$0x3FFC];
	_ =	sdelay $0x3  }
0x94: {  	_ =	strace s3  }
0x95: {  	s3 =	sld [smem:$0x3FFD];
	_ =	sdelay $0x3  }
0x96: {  	_ =	strace s3  }
0x97: {  	_ =	strace $0x8FFFFFFF  }
0x98: {  	s19 =	sld [smem:$0x3FDB];
	_ =	sdelay $0x1  }
0x99: {  	s4 =	simm.s32 $_scs_section_size  }
0x9a: {  	s5 =	simm.s32 $_size__tile_overlayer_lowered;
	s6 =	simm.s32 $_tile_overlayer_lowered  }
0x9b: {  	s22 =	simm.s32 $0x1BFF;
	s21 =	sshll.u32 s6, $0x1;
	s3 =	sadd.s32 s4, s19  }
0x9c: {  	s7 =	simm.s32 $0x0;
	s20 =	sshll.u32 s5, $0x1;
	s5 =	sadd.s32 s21, s3  }
0x9d: {  	[timem:s7], [sflag:s22] =	dma.local [hbm:s5], s20  }
0x9e: {  	_ =	swait.ge [sflag:s22], s20  }
0x9f: {  	s4 =	ssub.s32 $0x0, s20;
	[sflag:s22] =	ssyncset.done $0x0  }
0xa0: {  	[sflag:s22] =	ssyncadd.s32 s4;
	_ =	sdelay $0x1  }
0xa1: {  	s23 =	simm.s32 $0x1B8B  }
0xa2: {  	_ =	swait.ge [sflag:s23], $0x1  }
0xa3: {  	[sflag:s23] =	ssyncset.done $0x0  }
0xa4: {  	s25 =	simm.s32 $0x1B8E;
	s24 =	sld [smem:$0x3FFE];
	[sflag:s23] =	ssyncadd.s32 $0xFFFFFFFF  }
0xa5: {  	s26 =	simm.s32 $execute0_lowered;
	[smem:$0x3FD2] =	sst s25  }
0xa6: {  	s5 =	sshll.u32 s26, $0x1;
	_ =	strace $0x8000004C;
	[dreg:$0x1] =	wrdreg $0xFFFFFFFF  }
0xa7: {  	s28 =	simm.s32 $_size_execute0_lowered;
	s3 =	sadd.s32 s3, s5;
	[dreg:$0x0] =	wrdreg $0x0  }
0xa8: {  	s5 =	sshll.u32 s28, $0x1;
	[dreg:$0x2] =	wrdreg s3  }
0xa9: {  	[dreg:$0x3] =	wrdreg s5  }
0xaa: {  	[dreg:$0x4] =	wrdreg $0xC0  }
0xab: {  	_ =	task [dreg:s7], $0x5FFFF  }
0xac: {  	[dreg:$0x1] =	wrdreg $0xFFFFFFFF  }
0xad: {  	[dreg:$0x0] =	wrdreg $0x60  }
0xae: {  	[dreg:$0x2] =	wrdreg s2  }
0xaf: {  	[dreg:$0x3] =	wrdreg s24  }
0xb0: {  	[dreg:$0x4] =	wrdreg $0x0  }
0xb1: {  	[dreg:$0x5] =	wrdreg $0x9  }
0xb2: {  	_ =	task.clear_ibuf [dreg:s7], $0x6FFFF;
	_ =	strace $0x9000004C  }
0xb3: {  	s29 =	simm.s32 $0x9;
	_ =	strace $0x8000004E  }
0xb4: {  	_ =	swait.ge [sflag:s29], $0x1  }
0xb5: {  	[sflag:s29] =	ssyncadd.s32 $0xFFFFFFFF  }
0xb6: {  	_ =	strace $0x9000004E  }
0xb7: {  	_ =	sfence  }
0xb8: {  	s30 =	sld [smem:$0x0];
	_ =	sdelay $0x2  }
0xb9: {  	s31 =	sshll.u32 s1, $0xD;
	s1 =	sshrl.u32 s1, $0x2  }
0xba: {  	s3 =	sand.u32 $0x4000, s31;
	s1 =	sadd.s32 s1, s30  }
0xbb: {  	s0 =	sor.u32 s3, s0;
	s1 =	sshll.u32 s1, $0x11  }
0xbc: {  	s0 =	sor.u32 s1, s0  }
0xbd: {  	s0 =	sadd.s32 $0x8F2B, s0  }
0xbe: {  	[sflag:s0] =	ssyncadd.remote.s32 $0x1  }
0xbf: {  	_ =	sfence.sel $0xFFFF  }
0xc0: {  	[dreg:$0x0] =	wrdreg $0xFFFFFFFF;
	(pc) =	sbr.abs _section_cstart, $3  }
0xc1: {  	[dreg:$0x1] =	wrdreg $0xFFFFFFFF  }
0xc2: {  	_ =	task.clear_ibuf [dreg:s7], $0x2FFFF;
	_ =	strace $0x9FFFFFFF  }
0xc3: {  	(tm) =	ssettm $0x7FFFFFFF  }
tec
execute0_lowered:
.L_overlay_start_1:
0x0: {  	(tag) =	ssettag $0x1  }
0x1: {  	s1 =	rddreg [dreg:$0x0]  }
0x2: {  	s6 =	rddreg [dreg:$0x1]  }
0x3: {  	s0 =	stileid.u32;
	s2 =	srdreg.scid  }
0x4: {  	s3 =	rddreg [dreg:$0x2];
	s4 =	simm.s32 $0x0;
	s5 =	smul.u32 $0x580, s0  }
0x5: {  	s16 =	simm.s32 $0x18CC0;
	s17 =	simm.s32 $0x0;
	s7 =	smul.u32 $0x500, s0  }
0x6: {  	s15 =	sand.u32 $0x1, s2;
	s2 =	rddreg [dreg:$0x3];
	s9 =	smul.u32 $0x1F400, s0  }
0x7: {  	[smem:$0x7FF] =	sst s4;
	s11 =	smul.u32 $0x7D000, s0;
	p0 =	sgt.u32 s0, $0x9  }
0x8: {  	s8 =	smul.u32 $0x138800, s15;
	_ =	strace $0x8000004D;
	s31 =	ssub.s32 $0x2, s15  }
0x9: {  	s13 =	sshll.u32 @!p0 s0, $0x6;
	v0 =	vmov s15;
	s15 =	simm.s32 $0x80;
	s10 =	sadd.s32 s5, s6  }
0xa: {  	s7 =	sadd.s32 s7, s6;
	s5 =	sadd.s32 $0x6A00, s6;
	s12 =	sshrl.u32 s31, $0x1  }
0xb: {  	s11 =	sshrl.u32 s11, $0x2;
	s13 =	sor.u32 @!p0 $0x1C01, s13;
	s8 =	sadd.s32 s9, s8  }
0xc: {  	s9 =	ssub.s32 s31, s12;
	s7 =	sadd.s32 $0x1200, s7;
	s14 =	sadd.s32 s11, s3  }
0xd: {  	s11 =	simm.s32 $0x1;
	s12 =	simm.s32 $0x164C0;
	s8 =	sshrl.u32 s8, $0x3  }
0xe: {  	s9 =	smax.u32 s9, $0x1;
	s14 =	sshrl.u32 @!p0 s14, $0x3;
	s8 =	sadd.s32 s8, s6  }
0xf: {  	s6 =	sadd.s32 $0xAA00, s10;
	s10 =	simm.s32 $0x138C0;
	s8 =	sadd.s32 $0x5E400, s8  }
.LBB2_1:
0x10: {  	[tilespmem:s10], [sflag:$0x1] =	stream.linear.gather [hbm4b:s6+s4], $0x2880, $0x38;
	[tilespmem:$0x1CCC0] =	vst v63  }
0x11: {  	_ =	swait.ge [sflag:s11], $0x2880  }
0x12: {  	[sflag:s11] =	ssyncset.done $0x0  }
0x13: {  	[sflag:s11] =	ssyncadd.s32 $0xFFFFD780  }
0x14: {  	[tilespmem:s12], [sflag:$0x1] =	stream.linear.gather [hbm4b:s7+s4], $0x2800, $0x38;
	[tilespmem:$0x1CCC0] =	vst v63  }
0x15: {  	_ =	swait.ge [sflag:s11], $0x2800  }
0x16: {  	[sflag:s11] =	ssyncset.done $0x0  }
0x17: {  	s18 =	simm.s32 @!p0 $0x1;
	[sflag:s11] =	ssyncadd.s32 $0xFFFFD800  }
0x18: {  	[spmem:s14], [sflag:s13] =	dma.local @!p0 [hbm:s5], $0x3E80  }
0x19: {  	_ =	swait.ge @!p0 [sflag:s18], $0x3E80  }
0x1a: {  	[sflag:s18] =	ssyncset.done @!p0 $0x0  }
0x1b: {  	[sflag:s18] =	ssyncadd.s32 @!p0 $0xFFFFC180;
	s18 =	simm.s32 $0x0  }
0x1c: {  	v2 =	vld [tilespmem:s18+$0x138C0]  }
0x1d: {  	v3 =	vld [tilespmem:s18+$0x138D0]  }
0x1e: {  	v5 =	vld [tilespmem:s18+$0x138E0]  }
0x1f: {  	v4 =	vld [tilespmem:s18+$0x138F0]  }
0x20: {  	v1 =	vld [tilespmem:s18+$0x13900]  }
0x21: {  	v6 =	vshll.u32 v2, $0x1;
	v2 =	vld [tilespmem:s18+$0x13910]  }
0x22: {  	s19 =	simm.s32 $0x200;
	v7 =	vshll.u32 v3, $0x1;
	v3 =	vld [tilespmem:s18+$0x13920];
	v6 =	vor.u32 v0, v6  }
.LBB2_2:
0x23: {  	s20 =	sshra.s32 s19, $0x2;
	p1 =	sne.s32 s19, $0xA000;
	[tilespmem:s18+$0x138C0] =	vst v6;
	v6 =	vor.u32 v0, v7;
	v5 =	vshll.u32 v5, $0x1;
	v7 =	vld [tilespmem:s18+$0x13930]  }
0x24: {  	v8 =	vld [tilespmem:s20+$0x138C0];
	[tilespmem:s18+$0x138D0] =	vst v6;
	v5 =	vor.u32 v0, v5;
	v4 =	vshll.u32 v4, $0x1  }
0x25: {  	v9 =	vld [tilespmem:s20+$0x138D0];
	[tilespmem:s18+$0x138E0] =	vst v5;
	v4 =	vor.u32 v0, v4;
	v1 =	vshll.u32 v1, $0x1  }
.Ltmp0:
0x26: {  	v5 =	vld [tilespmem:s20+$0x138E0];
	[tilespmem:s18+$0x138F0] =	vst v4;
	v1 =	vor.u32 v0, v1;
	v2 =	vshll.u32 v2, $0x1;
	(pc) =	sbr.rel @p1 .LBB2_2-.Ltmp0, $4  }
0x27: {  	v4 =	vld [tilespmem:s20+$0x138F0];
	[tilespmem:s18+$0x13900] =	vst v1;
	v2 =	vor.u32 v0, v2;
	v3 =	vshll.u32 v3, $0x1  }
0x28: {  	v1 =	vld [tilespmem:s20+$0x13900];
	[tilespmem:s18+$0x13910] =	vst v2;
	v3 =	vor.u32 v0, v3;
	v6 =	vshll.u32 v7, $0x1  }
0x29: {  	v7 =	vshll.u32 v8, $0x1;
	v2 =	vld [tilespmem:s20+$0x13910];
	[tilespmem:s18+$0x13920] =	vst v3;
	v8 =	vor.u32 v0, v6  }
0x2a: {  	s19 =	sadd.s32 $0x200, s19;
	v6 =	vor.u32 v0, v7;
	v7 =	vshll.u32 v9, $0x1;
	v3 =	vld [tilespmem:s20+$0x13920];
	[tilespmem:s18+$0x13930] =	vst v8;
	s18 =	smov.u32 s20  }
0x2b: {  	[tilespmem:s18+$0x138C0] =	vst v6;
	v62 =	vor.u32 v0, v7;
	v5 =	vshll.u32 v5, $0x1;
	v63 =	vld [tilespmem:s18+$0x13930]  }
0x2c: {  	[tilespmem:s18+$0x138D0] =	vst v62;
	v5 =	vor.u32 v0, v5;
	v4 =	vshll.u32 v4, $0x1  }
0x2d: {  	[tilespmem:s18+$0x138E0] =	vst v5;
	v4 =	vor.u32 v0, v4;
	v1 =	vshll.u32 v1, $0x1  }
0x2e: {  	[tilespmem:s18+$0x138F0] =	vst v4;
	v1 =	vor.u32 v0, v1;
	v2 =	vshll.u32 v2, $0x1  }
0x2f: {  	[tilespmem:s18+$0x13900] =	vst v1;
	v1 =	vor.u32 v0, v2;
	v2 =	vshll.u32 v3, $0x1  }
0x30: {  	[tilespmem:s18+$0x13910] =	vst v1;
	v1 =	vor.u32 v0, v2;
	v2 =	vshll.u32 v63, $0x1  }
0x31: {  	[tilespmem:s18+$0x13920] =	vst v1;
	v1 =	vor.u32 v0, v2  }
0x32: {  	[tilespmem:s18+$0x13930] =	vst v1  }
0x33: {  	s30 =	simm.s32 $0x138C0;
	[bflag:$0x0] =	sbarrier.arrive $0xFFFF  }
0x34: {  	[tilespmem:s16], [sflag:$0x1] =	stream.indirect.gather [hbm4b:s1+s15], $0x80, s30, s15, $0xb8;
	[tilespmem:$0x1CCC0] =	vst v63  }
0x35: {  	_ =	swait.ge [sflag:s11], $0x4000  }
0x36: {  	[sflag:s11] =	ssyncset.done $0x0  }
0x37: {  	s31 =	simm.s32 $0x164C0;
	[sflag:s11] =	ssyncadd.s32 $0xFFFFC000  }
0x38: {  	[spmem:s3] =	stream.indirect.scatter.add.f32 [tilespmem:s16], [sflag:$0x1], $0x80, s31, s15, $0xb8;
	[tilespmem:$0x1CCC0] =	vst v63  }
0x39: {  	_ =	swait.ge [sflag:s11], $0x4000  }
0x3a: {  	s19 =	simm.s32 $0x400;
	s18 =	simm.s32 $0x80;
	[sflag:s11] =	ssyncset.done $0x0  }
.LBB2_4:
0x3b: {  	s20 =	sadd.s32 $0x138C0, s18  }
0x3c: {  	[sflag:s11] =	ssyncadd.s32 $0xFFFFC000;
	s21 =	smov.u32 s19;
	s22 =	sadd.s32 $0x200, s19  }
0x3d: {  	[tilespmem:s16], [sflag:$0x1] =	stream.indirect.gather [hbm4b:s1+s15], $0x80, s20, s15, $0xb8;
	[tilespmem:$0x1CCC0] =	vst v63  }
0x3e: {  	p1 =	sne.s32 s19, $0x9E00;
	_ =	swait.ge [sflag:s11], $0x4000  }
.Ltmp1:
0x3f: {  	[sflag:s11] =	ssyncset.done $0x0;
	(pc) =	sbr.rel @p1 .LBB2_4-.Ltmp1, $4  }
0x40: {  	s18 =	sadd.s32 $0x164C0, s18;
	[sflag:s11] =	ssyncadd.s32 $0xFFFFC000  }
0x41: {  	[spmem:s3] =	stream.indirect.scatter.add.f32 [tilespmem:s16], [sflag:$0x1], $0x80, s18, s15, $0xb8;
	[tilespmem:$0x1CCC0] =	vst v63  }
0x42: {  	_ =	swait.ge [sflag:s11], $0x4000  }
0x43: {  	s19 =	smov.u32 s22;
	s18 =	sshra.s32 s21, $0x2;
	[sflag:s11] =	ssyncset.done $0x0  }
0x44: {  	s19 =	sadd.s32 $0x138C0, s18;
	[sflag:s11] =	ssyncadd.s32 $0xFFFFC000  }
0x45: {  	[tilespmem:s16], [sflag:$0x1] =	stream.indirect.gather [hbm4b:s1+s15], $0x80, s19, s15, $0xb8;
	[tilespmem:$0x1CCC0] =	vst v63  }
0x46: {  	_ =	swait.ge [sflag:s11], $0x4000  }
0x47: {  	[sflag:s11] =	ssyncset.done $0x0  }
0x48: {  	s31 =	sadd.s32 $0x164C0, s18;
	[sflag:s11] =	ssyncadd.s32 $0xFFFFC000  }
0x49: {  	[spmem:s3] =	stream.indirect.scatter.add.f32 [tilespmem:s16], [sflag:$0x1], $0x80, s31, s15, $0xb8;
	[tilespmem:$0x1CCC0] =	vst v63  }
0x4a: {  	_ =	swait.ge [sflag:s11], $0x4000  }
0x4b: {  	s17 =	sadd.s32 $0x1, s17;
	[sflag:s11] =	ssyncset.done $0x0  }
0x4c: {  	p1 =	sne.s32 s17, s9;
	[sflag:s11] =	ssyncadd.s32 $0xFFFFC000  }
.Ltmp2:
0x4d: {  	s18 =	simm.s32 @!p0 $0x1;
	[bflag:$0x0] =	sbarrier.arrive $0xFFFF;
	(pc) =	sbr.rel @p1 .LBB2_1-.Ltmp2, $4  }
0x4e: {  	[hbm:s8], [sflag:s13] =	dma.local @!p0 [spmem:s14], $0x3E80  }
0x4f: {  	_ =	swait.ge @!p0 [sflag:s18], $0x3E80  }
0x50: {  	[sflag:s18] =	ssyncset.done @!p0 $0x0  }
0x51: {  	[sflag:s18] =	ssyncadd.s32 @!p0 $0xFFFFC180  }
0x52: {  	_ =	sfence.sel $0x180000  }
0x53: {  	[bflag:$0x0] =	sbarrier.arrive $0xFFFF  }
0x54: {  	p0 =	sne.s32 s0, $0x0;
	_ =	strace $0x9000004D  }
0x55: {  	s0 =	sadd.s32 @!p0 $0x100000, s2;
	[bflag:$0x2] =	sbarrier.arrive $0xFFFF  }
0x56: {  	[sflag:s0] =	ssyncadd.tile.s32 @!p0 $0x1;
	_ =	shalt  }
.Lfunc_end2:
_tile_overlayer_lowered:
.L_overlay_start_2:
0x57: {  	(tag) =	ssettag $0x2  }
0x58: {  	s0 =	rddreg [dreg:$0x0];
	s2 =	stileid.u32  }
0x59: {  	s1 =	rddreg [dreg:$0x1];
	p0 =	sne.s32 s2, $0x0  }
0x5a: {  	s3 =	rddreg [dreg:$0x2];
	[bflag:$0x3] =	sbarrier.arrive $0xFFFF;
	s2 =	simm.s32 @!p0 $0x1C01  }
0x5b: {  	[timem:s3], [sflag:s2] =	dma.local @!p0 [hbm:s0], s1  }
0x5c: {  	s0 =	simm.s32 @!p0 $0x1  }
0x5d: {  	_ =	swait.ge @!p0 [sflag:s0], s1  }
0x5e: {  	s1 =	ssub.s32 @!p0 $0x0, s1;
	[sflag:s0] =	ssyncset.done @!p0 $0x0  }
0x5f: {  	[sflag:s0] =	ssyncadd.s32 @!p0 s1  }
0x60: {  	[bflag:$0x3] =	sbarrier.arrive $0xFFFF  }
0x61: {  	_ =	shalt  }

// kernel: kernel.8.cloned.1.call-start
scs
__scs_entry_jumppad:
0x0: {  	(pc) =	sbr.rel $0x88, $3  }
0x1: {  	(tag) =	ssettag $0x0;
	lr =	simm.s32 $0x1  }
0x2: {  	[smem:$0x3F9D] =	sst lr;
	_ =	strace $0xD0000000  }
0x3: {  	_ = 	snop  }
0x4: {  	_ = 	snop  }
0x5: {  	_ = 	snop  }
0x6: {  	_ = 	snop  }
0x7: {  	_ = 	snop  }
__scs_overlays_trampoline_lowered:
0x8: {  	[smem:$0x3FAC] =	sst s0  }
0x9: {  	[smem:$0x3FAD] =	sst s1  }
0xa: {  	[smem:$0x3FAE] =	sst s2  }
0xb: {  	[smem:$0x3FAF] =	sst s3  }
0xc: {  	[smem:$0x3FB0] =	sst s4  }
0xd: {  	[smem:$0x3FB1] =	sst s5  }
0xe: {  	[smem:$0x3FB2] =	sst s6  }
0xf: {  	[smem:$0x3FB3] =	sst s7  }
0x10: {  	[smem:$0x3FB4] =	sst s8  }
0x11: {  	[smem:$0x3FB5] =	sst s9;
	s0 =	simm.s32 @!p0 $0x0  }
0x12: {  	s1 =	sld [smem:$0x3F9B];
	s0 =	simm.s32 @p0 $0x1  }
0x13: {  	[smem:$0x3FB6] =	sst s0;
	s0 =	simm.s32 @!p1 $0x0  }
0x14: {  	s2 =	sld [smem:$0x3F9A];
	s0 =	simm.s32 @p1 $0x1  }
0x15: {  	[smem:$0x3FB7] =	sst s0;
	s0 =	simm.s32 @!p2 $0x0  }
0x16: {  	s3 =	sld [smem:$0x3FDB];
	s0 =	simm.s32 @p2 $0x1  }
0x17: {  	s4 =	simm.s32 $0x1BF5;
	[smem:$0x3FB9] =	sst s0  }
0x18: {  	s0 =	sld [smem:$0x3F9C];
	_ =	swait.ge [sflag:s4], $0x0  }
0x19: {  	s7 =	sld [smem:$0x3F9D]  }
0x1a: {  	s8 =	sadd.s32 $0xFFFFE003, lr  }
0x1b: {  	s9 =	sadd.s32 $0xFFFFFEF7, lr;
	s5 =	simm.s32 $0xFFFFFFFF;
	p2 =	slt.u32 s8, $0xFFFFF086  }
0x1c: {  	p1 =	slt.u32 s9, $0xF7A;
	s5 =	simm.s32 @!p2 $0x0  }
0x1d: {  	s5 =	simm.s32 @p1 $0x1;
	p0 =	seq.s32 s7, s2  }
0x1e: {  	s7 =	smul.u32 @!p0 $0xF7A, s2;
	p2 =	seq.s32 @!p0 s5, $0x0  }
0x1f: {  	s9 =	smul.u32 $0xF7A, s1;
	s8 =	simm.s32 @!p0 $0x1BF5;
	p2 =	por !p2, p0  }
0x20: {  	[sflag:s8] =	ssyncset.s32 @!p0 $0xFFFFF086;
	s6 =	sadd.s32 @!p0 s3, s7;
	s7 =	simm.s32 @!p0 $0x108  }
0x21: {  	s3 =	sadd.s32 s3, s9;
	s6 =	sadd.s32 @!p0 $0x88, s6;
	s7 =	simm.s32 @p2 $0x1082  }
0x22: {  	[simem:s7], [sflag:s8] =	dma.local @!p0 [hbm:s6], $0xF7A  }
0x23: {  	s9 =	sor.u32 $0xD0000000, s2;
	s6 =	simm.s32 $0x108;
	_ =	swait.ge @!p0 [sflag:s8], $0x0  }
0x24: {  	s3 =	sadd.s32 $0x88, s3;
	s6 =	simm.s32 @!p1 $0x1082;
	[sflag:s4] =	ssyncset.s32 $0xFFFFF086  }
0x25: {  	[simem:s6], [sflag:s4] =	dma.local [hbm:s3], $0xF7A  }
0x26: {  	[smem:$0x3F9D] =	sst s1;
	(tag) =	ssettag s2;
	_ =	strace s9  }
0x27: {  	s1 =	sld [smem:$0x3FAD]  }
0x28: {  	s2 =	sld [smem:$0x3FAE]  }
0x29: {  	s4 =	sld [smem:$0x3FB0]  }
0x2a: {  	p0 =	seq.s32 s5, $0x0;
	s5 =	sld [smem:$0x3FB1]  }
0x2b: {  	s6 =	sld [smem:$0x3FB2]  }
0x2c: {  	s7 =	sld [smem:$0x3FB3]  }
0x2d: {  	s3 =	simm.s32 $0x108;
	s8 =	sld [smem:$0x3FB4]  }
0x2e: {  	s3 =	simm.s32 @!p0 $0x1082;
	s9 =	sld [smem:$0x3FB5]  }
0x2f: {  	lr =	sadd.s32 s0, s3;
	s0 =	sld [smem:$0x3FAC]  }
0x30: {  	s3 =	sld [smem:$0x3FAF]  }
0x31: {  	[smem:$0x3FB8] =	sst s10  }
0x32: {  	s10 =	sld [smem:$0x3FB6];
	_ =	sdelay $0x3  }
0x33: {  	p0 =	seq.s32 s10, $0x1;
	s10 =	sld [smem:$0x3FB8];
	_ =	sdelay $0x3  }
0x34: {  	[smem:$0x3FB8] =	sst s10  }
0x35: {  	s10 =	sld [smem:$0x3FB7];
	_ =	sdelay $0x3  }
0x36: {  	p1 =	seq.s32 s10, $0x1;
	s10 =	sld [smem:$0x3FB8];
	_ =	sdelay $0x3  }
0x37: {  	[smem:$0x3FB8] =	sst s10  }
0x38: {  	s10 =	sld [smem:$0x3FB9]  }
0x39: {  	_ = 	snop;
	(pc) =	sbr.ind lr, $3  }
0x3a: {  	_ = 	snop  }
0x3b: {  	_ = 	snop  }
0x3c: {  	p2 =	seq.s32 s10, $0x1;
	s10 =	sld [smem:$0x3FB8]  }
0x3d: {  	_ =	shalt  }
0x3e: {  	_ =	shalt  }
0x3f: {  	_ =	shalt  }
0x40: {  	_ =	shalt  }
0x41: {  	_ =	shalt  }
0x42: {  	_ =	shalt  }
0x43: {  	_ =	shalt  }
0x44: {  	_ =	shalt  }
0x45: {  	_ =	shalt  }
0x46: {  	_ =	shalt  }
0x47: {  	_ =	shalt  }
0x48: {  	_ =	shalt  }
0x49: {  	_ =	shalt  }
0x4a: {  	_ =	shalt  }
0x4b: {  	_ =	shalt  }
0x4c: {  	_ =	shalt  }
0x4d: {  	_ =	shalt  }
0x4e: {  	_ =	shalt  }
0x4f: {  	_ =	shalt  }
0x50: {  	_ =	shalt  }
0x51: {  	_ =	shalt  }
0x52: {  	_ =	shalt  }
0x53: {  	_ =	shalt  }
0x54: {  	_ =	shalt  }
0x55: {  	_ =	shalt  }
0x56: {  	_ =	shalt  }
0x57: {  	_ =	shalt  }
0x58: {  	_ =	shalt  }
0x59: {  	_ =	shalt  }
0x5a: {  	_ =	shalt  }
0x5b: {  	_ =	shalt  }
0x5c: {  	_ =	shalt  }
0x5d: {  	_ =	shalt  }
0x5e: {  	_ =	shalt  }
0x5f: {  	_ =	shalt  }
0x60: {  	_ =	shalt  }
0x61: {  	_ =	shalt  }
0x62: {  	_ =	shalt  }
0x63: {  	_ =	shalt  }
0x64: {  	_ =	shalt  }
0x65: {  	_ =	shalt  }
0x66: {  	_ =	shalt  }
0x67: {  	_ =	shalt  }
0x68: {  	_ =	shalt  }
0x69: {  	_ =	shalt  }
0x6a: {  	_ =	shalt  }
0x6b: {  	_ =	shalt  }
0x6c: {  	_ =	shalt  }
0x6d: {  	_ =	shalt  }
0x6e: {  	_ =	shalt  }
0x6f: {  	_ =	shalt  }
0x70: {  	_ =	shalt  }
0x71: {  	_ =	shalt  }
0x72: {  	_ =	shalt  }
0x73: {  	_ =	shalt  }
0x74: {  	_ =	shalt  }
0x75: {  	_ =	shalt  }
0x76: {  	_ =	shalt  }
0x77: {  	_ =	shalt  }
0x78: {  	_ =	shalt  }
0x79: {  	_ =	shalt  }
0x7a: {  	_ =	shalt  }
0x7b: {  	_ =	shalt  }
0x7c: {  	_ =	shalt  }
0x7d: {  	_ =	shalt  }
0x7e: {  	_ =	shalt  }
0x7f: {  	_ =	shalt  }
0x80: {  	_ =	shalt  }
0x81: {  	_ =	shalt  }
0x82: {  	_ =	shalt  }
0x83: {  	_ =	shalt  }
0x84: {  	_ =	shalt  }
0x85: {  	_ =	shalt  }
0x86: {  	_ =	shalt  }
0x87: {  	_ =	shalt  }
.Lfunc_end0:
.L_simem_size_0:
called_computation_lowered:
.L_overlay_start_0:
0x88: {  	s2 =	sld [smem:$0x3FD9]  }
0x89: {  	s3 =	sld [smem:$0x3FFE];
	_ =	sdelay $0x1  }
0x8a: {  	s1 =	srdreg.scid  }
0x8b: {  	s0 =	sand.u32 $0x1, s1  }
0x8c: {  	s17 =	sshll.u32 s0, $0xA;
	s2 =	sadd.s32 s3, s2  }
0x8d: {  	s2 =	sadd.s32 s2, s17  }
0x8e: {  	[smem:$0x3FC4] =	sst s2  }
0x8f: {  	_ = 	snop  }
0x90: {  	s2 =	sld [smem:$0x3FD0];
	(tm) =	ssettm $0x1  }
0x91: {  	s18 =	sld [smem:$0x3FFB];
	_ =	sdelay $0x3  }
0x92: {  	_ =	strace s18  }
0x93: {  	s3 =	sld [smem:$0x3FFC];
	_ =	sdelay $0x3  }
0x94: {  	_ =	strace s3  }
0x95: {  	s3 =	sld [smem:$0x3FFD];
	_ =	sdelay $0x3  }
0x96: {  	_ =	strace s3  }
0x97: {  	_ =	strace $0x8FFFFFFF  }
0x98: {  	s19 =	sld [smem:$0x3FDB];
	_ =	sdelay $0x1  }
0x99: {  	s4 =	simm.s32 $_scs_section_size  }
0x9a: {  	s5 =	simm.s32 $_size__tile_overlayer_lowered;
	s6 =	simm.s32 $_tile_overlayer_lowered  }
0x9b: {  	s22 =	simm.s32 $0x1BFF;
	s21 =	sshll.u32 s6, $0x1;
	s3 =	sadd.s32 s4, s19  }
0x9c: {  	s7 =	simm.s32 $0x0;
	s20 =	sshll.u32 s5, $0x1;
	s5 =	sadd.s32 s21, s3  }
0x9d: {  	[timem:s7], [sflag:s22] =	dma.local [hbm:s5], s20  }
0x9e: {  	_ =	swait.ge [sflag:s22], s20  }
0x9f: {  	s4 =	ssub.s32 $0x0, s20;
	[sflag:s22] =	ssyncset.done $0x0  }
0xa0: {  	[sflag:s22] =	ssyncadd.s32 s4;
	_ =	sdelay $0x1  }
0xa1: {  	s23 =	simm.s32 $0x1B8B  }
0xa2: {  	_ =	swait.ge [sflag:s23], $0x1  }
0xa3: {  	[sflag:s23] =	ssyncset.done $0x0  }
0xa4: {  	s25 =	simm.s32 $0x1B8E;
	s24 =	sld [smem:$0x3FFE];
	[sflag:s23] =	ssyncadd.s32 $0xFFFFFFFF  }
0xa5: {  	s26 =	simm.s32 $execute0_lowered;
	[smem:$0x3FD2] =	sst s25  }
0xa6: {  	s5 =	sshll.u32 s26, $0x1;
	_ =	strace $0x80000046;
	[dreg:$0x1] =	wrdreg $0xFFFFFFFF  }
0xa7: {  	s28 =	simm.s32 $_size_execute0_lowered;
	s3 =	sadd.s32 s3, s5;
	[dreg:$0x0] =	wrdreg $0x0  }
0xa8: {  	s5 =	sshll.u32 s28, $0x1;
	[dreg:$0x2] =	wrdreg s3  }
0xa9: {  	[dreg:$0x3] =	wrdreg s5  }
0xaa: {  	[dreg:$0x4] =	wrdreg $0xC0  }
0xab: {  	_ =	task [dreg:s7], $0x5FFFF  }
0xac: {  	[dreg:$0x1] =	wrdreg $0xFFFFFFFF  }
0xad: {  	[dreg:$0x0] =	wrdreg $0x60  }
0xae: {  	[dreg:$0x2] =	wrdreg s24  }
0xaf: {  	[dreg:$0x3] =	wrdreg s2  }
0xb0: {  	[dreg:$0x4] =	wrdreg $0x0  }
0xb1: {  	[dreg:$0x5] =	wrdreg $0x9  }
0xb2: {  	_ =	task.clear_ibuf [dreg:s7], $0x6FFFF;
	_ =	strace $0x90000046  }
0xb3: {  	s29 =	simm.s32 $0x9;
	_ =	strace $0x80000048  }
0xb4: {  	_ =	swait.ge [sflag:s29], $0x1  }
0xb5: {  	[sflag:s29] =	ssyncadd.s32 $0xFFFFFFFF  }
0xb6: {  	_ =	strace $0x90000048  }
0xb7: {  	_ =	sfence  }
0xb8: {  	s30 =	sld [smem:$0x0];
	_ =	sdelay $0x2  }
0xb9: {  	s31 =	sshll.u32 s1, $0xD;
	s1 =	sshrl.u32 s1, $0x2  }
0xba: {  	s3 =	sand.u32 $0x4000, s31;
	s1 =	sadd.s32 s1, s30  }
0xbb: {  	s0 =	sor.u32 s3, s0;
	s1 =	sshll.u32 s1, $0x11  }
0xbc: {  	s0 =	sor.u32 s1, s0  }
0xbd: {  	s0 =	sadd.s32 $0x8F2B, s0  }
0xbe: {  	[sflag:s0] =	ssyncadd.remote.s32 $0x1  }
0xbf: {  	_ =	sfence.sel $0xFFFF  }
0xc0: {  	[dreg:$0x0] =	wrdreg $0xFFFFFFFF;
	(pc) =	sbr.abs _section_cstart, $3  }
0xc1: {  	[dreg:$0x1] =	wrdreg $0xFFFFFFFF  }
0xc2: {  	_ =	task.clear_ibuf [dreg:s7], $0x2FFFF;
	_ =	strace $0x9FFFFFFF  }
0xc3: {  	(tm) =	ssettm $0x7FFFFFFF  }
tec
execute0_lowered:
.L_overlay_start_1:
0x0: {  	(tag) =	ssettag $0x1  }
0x1: {  	s5 =	rddreg [dreg:$0x0]  }
0x2: {  	s7 =	rddreg [dreg:$0x1]  }
0x3: {  	s2 =	rddreg [dreg:$0x2]  }
0x4: {  	s0 =	rddreg [dreg:$0x3]  }
0x5: {  	s1 =	stileid.u32;
	s3 =	simm.s32 $0x0;
	s6 =	srdreg.scid  }
0x6: {  	s15 =	simm.s32 $0x80;
	s16 =	simm.s32 $0x1;
	s4 =	smul.u32 $0x500, s1  }
0x7: {  	s17 =	simm.s32 $0x0;
	[smem:$0x7FF] =	sst s3;
	s11 =	smul.u32 $0x1F400, s1  }
0x8: {  	s6 =	sand.u32 $0x1, s6;
	s13 =	smul.u32 $0x7D000, s1;
	p0 =	sgt.u32 s1, $0x9  }
0x9: {  	_ =	strace $0x80000047;
	s9 =	smul.u32 $0x138800, s6;
	s10 =	ssub.s32 $0x2, s6  }
0xa: {  	s29 =	smul.u32 $0x5000, s6;
	s8 =	sadd.s32 s4, s5;
	s4 =	sadd.s32 $0x6200, s5  }
0xb: {  	s5 =	sadd.s32 $0x6A00, s5;
	s12 =	sshrl.u32 s10, $0x1;
	s30 =	sshrl.u32 s13, $0x2  }
0xc: {  	s13 =	sshll.u32 @!p0 s1, $0x6;
	s10 =	ssub.s32 s10, s12;
	s9 =	sadd.s32 s11, s9  }
0xd: {  	s6 =	sadd.s32 $0x1200, s8;
	s14 =	sadd.s32 s30, s2;
	s31 =	sshrl.u32 s29, $0x2  }
0xe: {  	s11 =	simm.s32 $0x2;
	s12 =	simm.s32 $0x178C0;
	s13 =	sor.u32 @!p0 $0x1C02, s13  }
0xf: {  	s9 =	sshrl.u32 s9, $0x3;
	s8 =	smax.u32 s10, $0x1;
	s10 =	simm.s32 $0x138C0  }
0x10: {  	s14 =	sshrl.u32 @!p0 s14, $0x3;
	s7 =	sadd.s32 s7, s9;
	s9 =	sadd.s32 $0x178C0, s31  }
.LBB2_1:
0x11: {  	[tilespmem:s10], [sflag:$0x2] =	stream.linear.gather [hbm4b:s4+s3], $0x4000, $0x38;
	[tilespmem:$0x1A0C0] =	vst v63  }
0x12: {  	_ =	swait.ge [sflag:s11], $0x4000  }
0x13: {  	[sflag:s11] =	ssyncset.done $0x0  }
0x14: {  	[sflag:s11] =	ssyncadd.s32 $0xFFFFC000  }
0x15: {  	[tilespmem:s12], [sflag:$0x2] =	stream.linear.gather [hbm4b:s6+s3], $0x2800, $0x38;
	[tilespmem:$0x1A0C0] =	vst v63  }
0x16: {  	_ =	swait.ge [sflag:s11], $0x2800  }
0x17: {  	[sflag:s11] =	ssyncset.done $0x0  }
0x18: {  	s18 =	simm.s32 @!p0 $0x2;
	[sflag:s11] =	ssyncadd.s32 $0xFFFFD800  }
0x19: {  	[spmem:s14], [sflag:s13] =	dma.local @!p0 [hbm:s5], $0x3E80  }
0x1a: {  	_ =	swait.ge @!p0 [sflag:s18], $0x3E80  }
0x1b: {  	[sflag:s18] =	ssyncset.done @!p0 $0x0  }
0x1c: {  	[sflag:s18] =	ssyncadd.s32 @!p0 $0xFFFFC180  }
0x1d: {  	s25 =	sadd.s32 $0x0, s9;
	[bflag:$0x0] =	sbarrier.arrive $0xFFFF  }
0x1e: {  	[spmem:s2] =	stream.indirect.scatter.add.f32 [tilespmem:s10], [sflag:$0x1], $0x80, s25, s15, $0xb8;
	[tilespmem:$0x1A0C0] =	vst v63  }
0x1f: {  	s19 =	sadd.s32 $0x80, s25  }
0x20: {  	[spmem:s2] =	stream.indirect.scatter.add.f32 [tilespmem:s10], [sflag:$0x1], $0x80, s19, s15, $0xb8;
	[tilespmem:$0x1A0C0] =	vst v63  }
0x21: {  	s26 =	sadd.s32 $0x100, s25  }
0x22: {  	[spmem:s2] =	stream.indirect.scatter.add.f32 [tilespmem:s10], [sflag:$0x1], $0x80, s26, s15, $0xb8;
	[tilespmem:$0x1A0C0] =	vst v63  }
0x23: {  	s28 =	sadd.s32 $0x180, s25  }
0x24: {  	[spmem:s2] =	stream.indirect.scatter.add.f32 [tilespmem:s10], [sflag:$0x1], $0x80, s28, s15, $0xb8;
	[tilespmem:$0x1A0C0] =	vst v63  }
0x25: {  	s29 =	sadd.s32 $0x200, s25  }
0x26: {  	[spmem:s2] =	stream.indirect.scatter.add.f32 [tilespmem:s10], [sflag:$0x1], $0x80, s29, s15, $0xb8;
	[tilespmem:$0x1A0C0] =	vst v63  }
0x27: {  	s30 =	sadd.s32 $0x280, s25  }
0x28: {  	[spmem:s2] =	stream.indirect.scatter.add.f32 [tilespmem:s10], [sflag:$0x1], $0x80, s30, s15, $0xb8;
	[tilespmem:$0x1A0C0] =	vst v63  }
0x29: {  	s31 =	sadd.s32 $0x300, s25  }
0x2a: {  	[spmem:s2] =	stream.indirect.scatter.add.f32 [tilespmem:s10], [sflag:$0x1], $0x80, s31, s15, $0xb8;
	[tilespmem:$0x1A0C0] =	vst v63  }
0x2b: {  	s18 =	sadd.s32 $0x380, s25  }
0x2c: {  	[spmem:s2] =	stream.indirect.scatter.add.f32 [tilespmem:s10], [sflag:$0x1], $0x80, s18, s15, $0xb8;
	[tilespmem:$0x1A0C0] =	vst v63  }
0x2d: {  	_ =	swait.ge [sflag:s16], $0x4000  }
0x2e: {  	[sflag:s16] =	ssyncset.done $0x0  }
0x2f: {  	[sflag:s16] =	ssyncadd.s32 $0xFFFFC000  }
0x30: {  	_ =	swait.ge [sflag:s16], $0x4000  }
0x31: {  	[sflag:s16] =	ssyncset.done $0x0  }
0x32: {  	[sflag:s16] =	ssyncadd.s32 $0xFFFFC000  }
0x33: {  	_ =	swait.ge [sflag:s16], $0x4000  }
0x34: {  	[sflag:s16] =	ssyncset.done $0x0  }
0x35: {  	[sflag:s16] =	ssyncadd.s32 $0xFFFFC000  }
0x36: {  	_ =	swait.ge [sflag:s16], $0x4000  }
0x37: {  	[sflag:s16] =	ssyncset.done $0x0  }
0x38: {  	[sflag:s16] =	ssyncadd.s32 $0xFFFFC000  }
0x39: {  	_ =	swait.ge [sflag:s16], $0x4000  }
0x3a: {  	[sflag:s16] =	ssyncset.done $0x0  }
0x3b: {  	[sflag:s16] =	ssyncadd.s32 $0xFFFFC000  }
0x3c: {  	_ =	swait.ge [sflag:s16], $0x4000  }
0x3d: {  	[sflag:s16] =	ssyncset.done $0x0  }
0x3e: {  	[sflag:s16] =	ssyncadd.s32 $0xFFFFC000  }
0x3f: {  	_ =	swait.ge [sflag:s16], $0x4000  }
0x40: {  	[sflag:s16] =	ssyncset.done $0x0  }
0x41: {  	[sflag:s16] =	ssyncadd.s32 $0xFFFFC000  }
0x42: {  	_ =	swait.ge [sflag:s16], $0x4000  }
0x43: {  	s20 =	simm.s32 $0x2000;
	s19 =	simm.s32 $0x400;
	[sflag:s16] =	ssyncset.done $0x0  }
.LBB2_2:
0x44: {  	s21 =	sadd.s32 s19, s9  }
0x45: {  	[sflag:s16] =	ssyncadd.s32 $0xFFFFC000;
	s19 =	smov.u32 s20;
	s18 =	sadd.s32 $0x1000, s20  }
0x46: {  	[spmem:s2] =	stream.indirect.scatter.add.f32 [tilespmem:s10], [sflag:$0x1], $0x80, s21, s15, $0xb8;
	[tilespmem:$0x1A0C0] =	vst v63  }
0x47: {  	p1 =	sne.s32 s20, $0x4000;
	s20 =	sadd.s32 $0x80, s21  }
0x48: {  	[spmem:s2] =	stream.indirect.scatter.add.f32 [tilespmem:s10], [sflag:$0x1], $0x80, s20, s15, $0xb8;
	[tilespmem:$0x1A0C0] =	vst v63  }
0x49: {  	s20 =	sadd.s32 $0x100, s21  }
0x4a: {  	[spmem:s2] =	stream.indirect.scatter.add.f32 [tilespmem:s10], [sflag:$0x1], $0x80, s20, s15, $0xb8;
	[tilespmem:$0x1A0C0] =	vst v63  }
0x4b: {  	s20 =	sadd.s32 $0x180, s21  }
0x4c: {  	[spmem:s2] =	stream.indirect.scatter.add.f32 [tilespmem:s10], [sflag:$0x1], $0x80, s20, s15, $0xb8;
	[tilespmem:$0x1A0C0] =	vst v63  }
0x4d: {  	s20 =	sadd.s32 $0x200, s21  }
0x4e: {  	[spmem:s2] =	stream.indirect.scatter.add.f32 [tilespmem:s10], [sflag:$0x1], $0x80, s20, s15, $0xb8;
	[tilespmem:$0x1A0C0] =	vst v63  }
0x4f: {  	s20 =	sadd.s32 $0x280, s21  }
0x50: {  	[spmem:s2] =	stream.indirect.scatter.add.f32 [tilespmem:s10], [sflag:$0x1], $0x80, s20, s15, $0xb8;
	[tilespmem:$0x1A0C0] =	vst v63  }
0x51: {  	s20 =	sadd.s32 $0x300, s21  }
0x52: {  	[spmem:s2] =	stream.indirect.scatter.add.f32 [tilespmem:s10], [sflag:$0x1], $0x80, s20, s15, $0xb8;
	[tilespmem:$0x1A0C0] =	vst v63  }
0x53: {  	s20 =	sadd.s32 $0x380, s21  }
0x54: {  	[spmem:s2] =	stream.indirect.scatter.add.f32 [tilespmem:s10], [sflag:$0x1], $0x80, s20, s15, $0xb8;
	[tilespmem:$0x1A0C0] =	vst v63  }
0x55: {  	_ =	swait.ge [sflag:s16], $0x4000  }
0x56: {  	[sflag:s16] =	ssyncset.done $0x0  }
0x57: {  	[sflag:s16] =	ssyncadd.s32 $0xFFFFC000  }
0x58: {  	_ =	swait.ge [sflag:s16], $0x4000  }
0x59: {  	[sflag:s16] =	ssyncset.done $0x0  }
0x5a: {  	[sflag:s16] =	ssyncadd.s32 $0xFFFFC000  }
0x5b: {  	_ =	swait.ge [sflag:s16], $0x4000  }
0x5c: {  	[sflag:s16] =	ssyncset.done $0x0  }
0x5d: {  	[sflag:s16] =	ssyncadd.s32 $0xFFFFC000  }
0x5e: {  	_ =	swait.ge [sflag:s16], $0x4000  }
0x5f: {  	[sflag:s16] =	ssyncset.done $0x0  }
0x60: {  	[sflag:s16] =	ssyncadd.s32 $0xFFFFC000  }
0x61: {  	_ =	swait.ge [sflag:s16], $0x4000  }
0x62: {  	[sflag:s16] =	ssyncset.done $0x0  }
0x63: {  	[sflag:s16] =	ssyncadd.s32 $0xFFFFC000  }
0x64: {  	_ =	swait.ge [sflag:s16], $0x4000  }
0x65: {  	[sflag:s16] =	ssyncset.done $0x0  }
0x66: {  	[sflag:s16] =	ssyncadd.s32 $0xFFFFC000  }
.Ltmp0:
0x67: {  	_ =	swait.ge [sflag:s16], $0x4000;
	(pc) =	sbr.rel @p1 .LBB2_2-.Ltmp0, $4  }
0x68: {  	[sflag:s16] =	ssyncset.done $0x0  }
0x69: {  	[sflag:s16] =	ssyncadd.s32 $0xFFFFC000  }
0x6a: {  	_ =	swait.ge [sflag:s16], $0x4000  }
0x6b: {  	s19 =	sshra.s32 s19, $0x2;
	s20 =	smov.u32 s18;
	[sflag:s16] =	ssyncset.done $0x0  }
0x6c: {  	s18 =	sadd.s32 s19, s9;
	[sflag:s16] =	ssyncadd.s32 $0xFFFFC000  }
0x6d: {  	[spmem:s2] =	stream.indirect.scatter.add.f32 [tilespmem:s10], [sflag:$0x1], $0x80, s18, s15, $0xb8;
	[tilespmem:$0x1A0C0] =	vst v63  }
0x6e: {  	s19 =	sadd.s32 $0x80, s18  }
0x6f: {  	[spmem:s2] =	stream.indirect.scatter.add.f32 [tilespmem:s10], [sflag:$0x1], $0x80, s19, s15, $0xb8;
	[tilespmem:$0x1A0C0] =	vst v63  }
0x70: {  	s26 =	sadd.s32 $0x100, s18  }
0x71: {  	[spmem:s2] =	stream.indirect.scatter.add.f32 [tilespmem:s10], [sflag:$0x1], $0x80, s26, s15, $0xb8;
	[tilespmem:$0x1A0C0] =	vst v63  }
0x72: {  	s28 =	sadd.s32 $0x180, s18  }
0x73: {  	[spmem:s2] =	stream.indirect.scatter.add.f32 [tilespmem:s10], [sflag:$0x1], $0x80, s28, s15, $0xb8;
	[tilespmem:$0x1A0C0] =	vst v63  }
0x74: {  	s29 =	sadd.s32 $0x200, s18  }
0x75: {  	[spmem:s2] =	stream.indirect.scatter.add.f32 [tilespmem:s10], [sflag:$0x1], $0x80, s29, s15, $0xb8;
	[tilespmem:$0x1A0C0] =	vst v63  }
0x76: {  	s30 =	sadd.s32 $0x280, s18  }
0x77: {  	[spmem:s2] =	stream.indirect.scatter.add.f32 [tilespmem:s10], [sflag:$0x1], $0x80, s30, s15, $0xb8;
	[tilespmem:$0x1A0C0] =	vst v63  }
0x78: {  	s31 =	sadd.s32 $0x300, s18  }
0x79: {  	[spmem:s2] =	stream.indirect.scatter.add.f32 [tilespmem:s10], [sflag:$0x1], $0x80, s31, s15, $0xb8;
	[tilespmem:$0x1A0C0] =	vst v63  }
0x7a: {  	s18 =	sadd.s32 $0x380, s18  }
0x7b: {  	[spmem:s2] =	stream.indirect.scatter.add.f32 [tilespmem:s10], [sflag:$0x1], $0x80, s18, s15, $0xb8;
	[tilespmem:$0x1A0C0] =	vst v63  }
0x7c: {  	_ =	swait.ge [sflag:s16], $0x4000  }
0x7d: {  	[sflag:s16] =	ssyncset.done $0x0  }
0x7e: {  	[sflag:s16] =	ssyncadd.s32 $0xFFFFC000  }
0x7f: {  	_ =	swait.ge [sflag:s16], $0x4000  }
0x80: {  	[sflag:s16] =	ssyncset.done $0x0  }
0x81: {  	[sflag:s16] =	ssyncadd.s32 $0xFFFFC000  }
0x82: {  	_ =	swait.ge [sflag:s16], $0x4000  }
0x83: {  	[sflag:s16] =	ssyncset.done $0x0  }
0x84: {  	[sflag:s16] =	ssyncadd.s32 $0xFFFFC000  }
0x85: {  	_ =	swait.ge [sflag:s16], $0x4000  }
0x86: {  	[sflag:s16] =	ssyncset.done $0x0  }
0x87: {  	[sflag:s16] =	ssyncadd.s32 $0xFFFFC000  }
0x88: {  	_ =	swait.ge [sflag:s16], $0x4000  }
0x89: {  	[sflag:s16] =	ssyncset.done $0x0  }
0x8a: {  	[sflag:s16] =	ssyncadd.s32 $0xFFFFC000  }
0x8b: {  	_ =	swait.ge [sflag:s16], $0x4000  }
0x8c: {  	[sflag:s16] =	ssyncset.done $0x0  }
0x8d: {  	[sflag:s16] =	ssyncadd.s32 $0xFFFFC000  }
0x8e: {  	_ =	swait.ge [sflag:s16], $0x4000  }
0x8f: {  	[sflag:s16] =	ssyncset.done $0x0  }
0x90: {  	[sflag:s16] =	ssyncadd.s32 $0xFFFFC000  }
0x91: {  	_ =	swait.ge [sflag:s16], $0x4000  }
0x92: {  	s17 =	sadd.s32 $0x1, s17;
	[sflag:s16] =	ssyncset.done $0x0  }
0x93: {  	p1 =	sne.s32 s17, s8;
	[sflag:s16] =	ssyncadd.s32 $0xFFFFC000  }
.Ltmp1:
0x94: {  	s18 =	simm.s32 @!p0 $0x2;
	[bflag:$0x0] =	sbarrier.arrive $0xFFFF;
	(pc) =	sbr.rel @p1 .LBB2_1-.Ltmp1, $4  }
0x95: {  	[hbm:s7], [sflag:s13] =	dma.local @!p0 [spmem:s14], $0x3E80  }
0x96: {  	_ =	swait.ge @!p0 [sflag:s18], $0x3E80  }
0x97: {  	[sflag:s18] =	ssyncset.done @!p0 $0x0  }
0x98: {  	[sflag:s18] =	ssyncadd.s32 @!p0 $0xFFFFC180  }
0x99: {  	_ =	sfence.sel $0x180000  }
0x9a: {  	[bflag:$0x0] =	sbarrier.arrive $0xFFFF  }
0x9b: {  	p0 =	sne.s32 s1, $0x0;
	_ =	strace $0x90000047  }
0x9c: {  	s0 =	sadd.s32 @!p0 $0x100000, s0;
	[bflag:$0x2] =	sbarrier.arrive $0xFFFF  }
0x9d: {  	[sflag:s0] =	ssyncadd.tile.s32 @!p0 $0x1;
	_ =	shalt  }
.Lfunc_end2:
_tile_overlayer_lowered:
.L_overlay_start_2:
0x9e: {  	(tag) =	ssettag $0x2  }
0x9f: {  	s0 =	rddreg [dreg:$0x0];
	s2 =	stileid.u32  }
0xa0: {  	s1 =	rddreg [dreg:$0x1];
	p0 =	sne.s32 s2, $0x0  }
0xa1: {  	s3 =	rddreg [dreg:$0x2];
	[bflag:$0x3] =	sbarrier.arrive $0xFFFF;
	s2 =	simm.s32 @!p0 $0x1C02  }
0xa2: {  	[timem:s3], [sflag:s2] =	dma.local @!p0 [hbm:s0], s1  }
0xa3: {  	s0 =	simm.s32 @!p0 $0x2  }
0xa4: {  	_ =	swait.ge @!p0 [sflag:s0], s1  }
0xa5: {  	s1 =	ssub.s32 @!p0 $0x0, s1;
	[sflag:s0] =	ssyncset.done @!p0 $0x0  }
0xa6: {  	[sflag:s0] =	ssyncadd.s32 @!p0 s1  }
0xa7: {  	[bflag:$0x3] =	sbarrier.arrive $0xFFFF  }
0xa8: {  	_ =	shalt  }

</sc_bundles>
